<compile_context>
chip_gen: v7x
topology: tpu7x:2x2x1
jax: 0.10.2.dev20260603
libtpu: 0.0.44.dev20260713+nightly
codegen_flags: <defaults>
</compile_context>

<pallas_src>
import dataclasses
import functools

import jax
import jax.numpy as jnp
from jax import lax
from jax.experimental import pallas as pl
from jax.experimental.pallas import tpu as pltpu
from jax.experimental.pallas import tpu_sc as plsc

_NUM_ENT = 1000000
_DIM = 32
_NUM_REL = 5
_BATCH = 16384
_NIDX = 2 * _BATCH
_PACK = 128 // _DIM

_NC = 2
_NS = 16
_NW = _NC * _NS
_BPW = _NIDX // _NW
_G = 16


def _sc_gather_rows(table3, c_idx, q_idx):
    mesh = plsc.VectorSubcoreMesh(core_axis_name="c", subcore_axis_name="s")
    cp = pltpu.CompilerParams()
    if "needs_layout_passes" in pltpu.CompilerParams.__dataclass_fields__:
        cp = dataclasses.replace(cp, needs_layout_passes=False)

    @functools.partial(
        pl.kernel,
        mesh=mesh,
        compiler_params=cp,
        out_type=jax.ShapeDtypeStruct((_NIDX // _PACK, 1, 128), jnp.float32),
        scratch_types=[
            pltpu.VMEM((_BPW,), jnp.int32),
            pltpu.VMEM((_BPW,), jnp.int32),
            pltpu.VMEM((_BPW // _PACK, 1, 128), jnp.float32),
            pltpu.SemaphoreType.DMA,
        ],
    )
    def k(tbl_hbm, c_hbm, q_hbm, out_hbm, cv, qv, sel_v, sem):
        wid = lax.axis_index("s") * _NC + lax.axis_index("c")
        base = wid * _BPW
        out_base = wid * (_BPW // _PACK)
        pltpu.sync_copy(c_hbm.at[pl.ds(base, _BPW)], cv)
        pltpu.sync_copy(q_hbm.at[pl.ds(base, _BPW)], qv)

        @pl.loop(0, _BPW // _G)
        def _grp(g):
            c16 = cv[pl.ds(g * _G, _G)]
            q16 = qv[pl.ds(g * _G, _G)]
            for j in range(_G):
                dr = g * (_G // _PACK) + j // _PACK
                lane = (j % _PACK) * _DIM
                pltpu.async_copy(
                    tbl_hbm.at[c16[j], q16[j], :],
                    sel_v.at[dr, 0, pl.ds(lane, _DIM)],
                    sem,
                )

        pltpu.make_async_copy(
            out_hbm.at[pl.ds(out_base, _BPW // _PACK)], sel_v, sem
        ).wait()
        pltpu.sync_copy(sel_v, out_hbm.at[pl.ds(out_base, _BPW // _PACK)])

    return k(table3, c_idx, q_idx)


def _tc_body(ht_ref, relb_ref, gamma_ref, beta_ref, rel_ref,
             preds_ref, loss_ref):
    nrows = _BATCH // _PACK
    h = ht_ref[0:nrows, :]
    t = ht_ref[nrows:2 * nrows, :]

    jj = lax.broadcasted_iota(jnp.int32, (128, 128), 0)
    kk = lax.broadcasted_iota(jnp.int32, (128, 128), 1)
    fold = jnp.where((jj % _DIM) == (kk % _DIM), 1.0 / _BATCH, 0.0)

    def batchnorm(x):
        m = lax.dot(jnp.sum(x, axis=0, keepdims=True), fold,
                    preferred_element_type=jnp.float32)
        xc = x - m
        v = lax.dot(jnp.sum(xc * xc, axis=0, keepdims=True), fold,
                    preferred_element_type=jnp.float32)
        scale = gamma_ref[...] * lax.rsqrt(v + 1e-5)
        return xc * scale + beta_ref[...]

    hn = batchnorm(h)
    tn = batchnorm(t)

    rel_id = relb_ref[...] % _NUM_REL
    r = jnp.zeros((nrows, 128), jnp.float32)
    for q in range(_NUM_REL):
        r = r + jnp.where(rel_id == q, rel_ref[q:q + 1, :], 0.0)

    p = hn * tn * r
    sj = lax.broadcasted_iota(jnp.int32, (128, _PACK), 0)
    sq = lax.broadcasted_iota(jnp.int32, (128, _PACK), 1)
    seg = jnp.where((sj // _DIM) == sq, 1.0, 0.0)
    score = lax.dot(p, seg, preferred_element_type=jnp.float32)
    preds = jax.nn.sigmoid(score)
    preds_ref[...] = preds
    loss = -jnp.sum(jnp.log(preds + 1e-10)) / _BATCH
    loss_ref[...] = jnp.broadcast_to(loss, (1, 1))


def _tc_decode(ht4, relb4, gamma128, beta128, rel_tab):
    nrows = _BATCH // _PACK
    return pl.pallas_call(
        _tc_body,
        out_shape=[
            jax.ShapeDtypeStruct((nrows, _PACK), jnp.float32),
            jax.ShapeDtypeStruct((1, 1), jnp.float32),
        ],
    )(ht4, relb4, gamma128, beta128, rel_tab)


def kernel(pos_edges, W, gamma, beta, rel_emb):
    idx = jnp.concatenate([pos_edges[:, 0], pos_edges[:, 2]]).astype(jnp.int32)
    c_idx = idx // 8
    q_idx = idx % 8
    W3 = W.reshape(_NUM_ENT // 8, 8, _DIM)
    ht4 = _sc_gather_rows(W3, c_idx, q_idx).reshape(_NIDX // _PACK, 128)
    relb4 = jnp.broadcast_to(
        pos_edges[:, 1][:, None].astype(jnp.int32), (_BATCH, _DIM)
    ).reshape(_BATCH // _PACK, 128)
    gamma128 = jnp.tile(gamma.reshape(1, _DIM), (1, _PACK))
    beta128 = jnp.tile(beta.reshape(1, _DIM), (1, _PACK))
    rel_tab = jnp.tile(rel_emb, (1, _PACK))
    preds4, loss11 = _tc_decode(ht4, relb4, gamma128, beta128, rel_tab)
    return loss11[0, 0], preds4.reshape(_BATCH)

# --- scband reference (transcript-rebuilt; emitter-appended) ---
"""Pipeline reference for scband-simple-gcmc-72842645340822 (READ-ONLY COPY).

The authoritative reference and input builder live on the scoring server;
editing this copy changes nothing except your own understanding.
"""

import jax, jax.numpy as jnp
import numpy as np

NUM_ENT = 1000000
EMBED_DIM = 32
NUM_REL = 5
BATCH = 16384


def _renorm_maxnorm1(W):
    norms = jnp.linalg.norm(W, axis=1, keepdims=True)
    scale = jnp.minimum(1.0, 1.0 / (norms + 1e-7))
    return W * scale


def setup_inputs(seed: int = 0) -> dict:
    key = jax.random.key(seed)
    k1, k2, k3 = jax.random.split(key, 3)
    pos_edges = jax.random.randint(k1, (BATCH, 3), 0, NUM_ENT)
    r = 6.0 / np.sqrt(EMBED_DIM)
    W = jax.random.uniform(k2, (NUM_ENT, EMBED_DIM), minval=-r, maxval=r, dtype=jnp.float32)
    W = _renorm_maxnorm1(W)
    gamma = jnp.ones((EMBED_DIM,), dtype=jnp.float32)
    beta = jnp.zeros((EMBED_DIM,), dtype=jnp.float32)
    rel_emb = jax.random.normal(k3, (NUM_REL, EMBED_DIM), dtype=jnp.float32) * 0.1
    return {"pos_edges": pos_edges, "W": W, "gamma": gamma, "beta": beta, "rel_emb": rel_emb}


def _batchnorm(x, gamma, beta, eps=1e-5):
    # training-mode BatchNorm1d: normalize with batch statistics
    mean = jnp.mean(x, axis=0)
    var = jnp.var(x, axis=0)
    return gamma * (x - mean) / jnp.sqrt(var + eps) + beta


def reference(pos_edges, W, gamma, beta, rel_emb):
    heads = pos_edges[:, 0]
    rels = pos_edges[:, 1] % NUM_REL
    tails = pos_edges[:, 2]
    # encode(): embedding gather + batchnorm
    h = _batchnorm(jnp.take(W, heads, axis=0), gamma, beta)
    t = _batchnorm(jnp.take(W, tails, axis=0), gamma, beta)
    r = jnp.take(rel_emb, rels, axis=0)
    # DistMult decoder: score, sigmoid preds, BCE loss against positive labels
    score = jnp.sum(h * r * t, axis=-1)
    preds = jax.nn.sigmoid(score)
    loss = -jnp.mean(jnp.log(preds + 1e-10))
    return (loss, preds)

if __name__ == "__main__":
    import jax
    _d = setup_inputs()
    print(jax.jit(kernel)(*tuple(_d.values())))

</pallas_src>

<mosaic_0001>
#map = affine_map<(d0, d1) -> (0, 0, 0)>
#map1 = affine_map<(d0, d1) -> (0)>
module attributes {stable_mosaic.version = 14 : i64} {
  func.func @k(%arg0: i32, %arg1: i32, %arg2: memref<125000x8x32xf32, #tpu.memory_space<hbm>>, %arg3: memref<32768xi32, #tpu.memory_space<hbm>>, %arg4: memref<32768xi32, #tpu.memory_space<hbm>>, %arg5: memref<8192x1x128xf32, #tpu.memory_space<hbm>>, %arg6: memref<1024xi32, #tpu.memory_space<vmem>>, %arg7: memref<1024xi32, #tpu.memory_space<vmem>>, %arg8: memref<256x1x128xf32, #tpu.memory_space<vmem>>, %arg9: memref<!tpu.dma_semaphore, #tpu.memory_space<semaphore_mem>>) attributes {dimension_semantics = [#tpu.dimension_semantics<core_parallel>, #tpu.dimension_semantics<subcore_parallel>], iteration_bounds = array<i64: 2, 16>, scalar_prefetch = 0 : i64, scratch_operands = 4 : i64, tpu.core_type = #tpu.core_type<sc_vector_subcore>, window_params = [{transform_indices = #map}, {transform_indices = #map1}, {transform_indices = #map1}, {transform_indices = #map}]} {
    %mul3A = arith.constant 2 : i32
    %mul3A_0 = arith.muli %arg1, %mul3A : i32
    %add3A = arith.addi %mul3A_0, %arg0 : i32
    %mul3A_1 = arith.constant 1024 : i32
    %mul3A_2 = arith.muli %add3A, %mul3A_1 : i32
    %mul3A_3 = arith.constant 256 : i32
    %mul3A_4 = arith.muli %add3A, %mul3A_3 : i32
    "tpu.region"() ({
      %run_scoped3A = tpu.sem_alloc : memref<!tpu.dma_semaphore, #tpu.memory_space<semaphore_mem>>
      %dma_start3A = tpu.memref_slice %arg3[%mul3A_2] : memref<32768xi32, #tpu.memory_space<hbm>> -> memref<1024xi32, #tpu.memory_space<hbm>>
      %dma_start3A_14 = tpu.memref_slice %arg3[%mul3A_2] : memref<32768xi32, #tpu.memory_space<hbm>> -> memref<1024xi32, #tpu.memory_space<hbm>>
      tpu.enqueue_dma source(%dma_start3A_14 : memref<1024xi32, #tpu.memory_space<hbm>>) target(%arg6 : memref<1024xi32, #tpu.memory_space<vmem>>) target_semaphore(%run_scoped3A : memref<!tpu.dma_semaphore, #tpu.memory_space<semaphore_mem>>)
      %dma_wait3A_15 = tpu.memref_slice %arg3[%mul3A_2] : memref<32768xi32, #tpu.memory_space<hbm>> -> memref<1024xi32, #tpu.memory_space<hbm>>
      %dma_wait3A_16 = tpu.memref_slice %arg3[%mul3A_2] : memref<32768xi32, #tpu.memory_space<hbm>> -> memref<1024xi32, #tpu.memory_space<hbm>>
      tpu.wait_dma2 semaphore(%run_scoped3A : memref<!tpu.dma_semaphore, #tpu.memory_space<semaphore_mem>>) src(%dma_wait3A_16 : memref<1024xi32, #tpu.memory_space<hbm>>) dst(%arg6 : memref<1024xi32, #tpu.memory_space<vmem>>)
      tpu.yield
    }) : () -> ()
    "tpu.region"() ({
      %run_scoped3A = tpu.sem_alloc : memref<!tpu.dma_semaphore, #tpu.memory_space<semaphore_mem>>
      %dma_start3A = tpu.memref_slice %arg4[%mul3A_2] : memref<32768xi32, #tpu.memory_space<hbm>> -> memref<1024xi32, #tpu.memory_space<hbm>>
      %dma_start3A_14 = tpu.memref_slice %arg4[%mul3A_2] : memref<32768xi32, #tpu.memory_space<hbm>> -> memref<1024xi32, #tpu.memory_space<hbm>>
      tpu.enqueue_dma source(%dma_start3A_14 : memref<1024xi32, #tpu.memory_space<hbm>>) target(%arg7 : memref<1024xi32, #tpu.memory_space<vmem>>) target_semaphore(%run_scoped3A : memref<!tpu.dma_semaphore, #tpu.memory_space<semaphore_mem>>)
      %dma_wait3A_15 = tpu.memref_slice %arg4[%mul3A_2] : memref<32768xi32, #tpu.memory_space<hbm>> -> memref<1024xi32, #tpu.memory_space<hbm>>
      %dma_wait3A_16 = tpu.memref_slice %arg4[%mul3A_2] : memref<32768xi32, #tpu.memory_space<hbm>> -> memref<1024xi32, #tpu.memory_space<hbm>>
      tpu.wait_dma2 semaphore(%run_scoped3A : memref<!tpu.dma_semaphore, #tpu.memory_space<semaphore_mem>>) src(%dma_wait3A_16 : memref<1024xi32, #tpu.memory_space<hbm>>) dst(%arg7 : memref<1024xi32, #tpu.memory_space<vmem>>)
      tpu.yield
    }) : () -> ()
    %scan3A = arith.constant 0 : i32
    %scan3A_5 = arith.constant 64 : i32
    %scan3A_6 = arith.addi %scan3A, %scan3A_5 : i32
    %scan3A_7 = arith.constant 1 : i32
    scf.for %scan3A_14 = %scan3A to %scan3A_6 step %scan3A_7  : i32 {
      %mul3A_15 = arith.constant 1 : i32
      %mul3A_16 = arith.muli %scan3A_14, %mul3A_15 : i32
      %add3A_17 = arith.constant 0 : i32
      %add3A_18 = arith.addi %add3A_17, %mul3A_16 : i32
      %mul3A_19 = arith.constant 16 : i32
      %mul3A_20 = arith.muli %add3A_18, %mul3A_19 : i32
      %get3A = arith.index_cast %mul3A_20 : i32 to index
      %get3A_21 = tpu.vector_load %arg6[%get3A] {strides = array<i32>} : memref<1024xi32, #tpu.memory_space<vmem>>, vector<16xi32>,
      %mul3A_22 = arith.constant 16 : i32
      %mul3A_23 = arith.muli %add3A_18, %mul3A_22 : i32
      %get3A_24 = arith.index_cast %mul3A_23 : i32 to index
      %get3A_25 = tpu.vector_load %arg7[%get3A_24] {strides = array<i32>} : memref<1024xi32, #tpu.memory_space<vmem>>, vector<16xi32>,
      %mul3A_26 = arith.constant 4 : i32
      %mul3A_27 = arith.muli %add3A_18, %mul3A_26 : i32
      %add3A_28 = arith.constant 0 : i32
      %add3A_29 = arith.addi %mul3A_27, %add3A_28 : i32
      %slice3A = vector.extract_strided_slice %get3A_21 {offsets = [0], sizes = [1], strides = [1]} : vector<16xi32> to vector<1xi32>
      %squeeze3A = vector.extract %slice3A[0] : i32 from vector<1xi32>
      %slice3A_30 = vector.extract_strided_slice %get3A_25 {offsets = [0], sizes = [1], strides = [1]} : vector<16xi32> to vector<1xi32>
      %squeeze3A_31 = vector.extract %slice3A_30[0] : i32 from vector<1xi32>
      %dma_start3A = arith.constant 0 : i32
      %dma_start3A_32 = arith.constant 0 : i32
      %dma_start3A_33 = tpu.memref_slice %arg8[%add3A_29, %dma_start3A, %dma_start3A_32] : memref<256x1x128xf32, #tpu.memory_space<vmem>> -> memref<1x1x32xf32, #tpu.memory_space<vmem>>
      %dma_start3A_34 = tpu.memref_squeeze %dma_start3A_33 : memref<1x1x32xf32, #tpu.memory_space<vmem>> -> memref<32xf32, #tpu.memory_space<vmem>>
      %dma_start3A_35 = arith.constant 0 : i32
      %dma_start3A_36 = tpu.memref_slice %arg2[%squeeze3A, %squeeze3A_31, %dma_start3A_35] : memref<125000x8x32xf32, #tpu.memory_space<hbm>> -> memref<1x1x32xf32, #tpu.memory_space<hbm>>
      %dma_start3A_37 = tpu.memref_squeeze %dma_start3A_36 : memref<1x1x32xf32, #tpu.memory_space<hbm>> -> memref<32xf32, #tpu.memory_space<hbm>>
      %dma_start3A_38 = arith.constant 0 : i32
      %dma_start3A_39 = tpu.memref_slice %arg8[%add3A_29, %dma_start3A, %dma_start3A_38] : memref<256x1x128xf32, #tpu.memory_space<vmem>> -> memref<1x1x32xf32, #tpu.memory_space<vmem>>
      %dma_start3A_40 = tpu.memref_squeeze %dma_start3A_39 : memref<1x1x32xf32, #tpu.memory_space<vmem>> -> memref<32xf32, #tpu.memory_space<vmem>>
      %dma_start3A_41 = arith.constant 0 : i32
      %dma_start3A_42 = tpu.memref_slice %arg2[%squeeze3A, %squeeze3A_31, %dma_start3A_41] : memref<125000x8x32xf32, #tpu.memory_space<hbm>> -> memref<1x1x32xf32, #tpu.memory_space<hbm>>
      %dma_start3A_43 = tpu.memref_squeeze %dma_start3A_42 : memref<1x1x32xf32, #tpu.memory_space<hbm>> -> memref<32xf32, #tpu.memory_space<hbm>>
      tpu.enqueue_dma source(%dma_start3A_43 : memref<32xf32, #tpu.memory_space<hbm>>) target(%dma_start3A_40 : memref<32xf32, #tpu.memory_space<vmem>>) target_semaphore(%arg9 : memref<!tpu.dma_semaphore, #tpu.memory_space<semaphore_mem>>)
      %mul3A_44 = arith.constant 4 : i32
      %mul3A_45 = arith.muli %add3A_18, %mul3A_44 : i32
      %add3A_46 = arith.constant 0 : i32
      %add3A_47 = arith.addi %mul3A_45, %add3A_46 : i32
      %slice3A_48 = vector.extract_strided_slice %get3A_21 {offsets = [1], sizes = [1], strides = [1]} : vector<16xi32> to vector<1xi32>
      %squeeze3A_49 = vector.extract %slice3A_48[0] : i32 from vector<1xi32>
      %slice3A_50 = vector.extract_strided_slice %get3A_25 {offsets = [1], sizes = [1], strides = [1]} : vector<16xi32> to vector<1xi32>
      %squeeze3A_51 = vector.extract %slice3A_50[0] : i32 from vector<1xi32>
      %dma_start3A_52 = arith.constant 0 : i32
      %dma_start3A_53 = arith.constant 32 : i32
      %dma_start3A_54 = tpu.memref_slice %arg8[%add3A_47, %dma_start3A_52, %dma_start3A_53] : memref<256x1x128xf32, #tpu.memory_space<vmem>> -> memref<1x1x32xf32, #tpu.memory_space<vmem>>
      %dma_start3A_55 = tpu.memref_squeeze %dma_start3A_54 : memref<1x1x32xf32, #tpu.memory_space<vmem>> -> memref<32xf32, #tpu.memory_space<vmem>>
      %dma_start3A_56 = arith.constant 0 : i32
      %dma_start3A_57 = tpu.memref_slice %arg2[%squeeze3A_49, %squeeze3A_51, %dma_start3A_56] : memref<125000x8x32xf32, #tpu.memory_space<hbm>> -> memref<1x1x32xf32, #tpu.memory_space<hbm>>
      %dma_start3A_58 = tpu.memref_squeeze %dma_start3A_57 : memref<1x1x32xf32, #tpu.memory_space<hbm>> -> memref<32xf32, #tpu.memory_space<hbm>>
      %dma_start3A_59 = arith.constant 32 : i32
      %dma_start3A_60 = tpu.memref_slice %arg8[%add3A_47, %dma_start3A_52, %dma_start3A_59] : memref<256x1x128xf32, #tpu.memory_space<vmem>> -> memref<1x1x32xf32, #tpu.memory_space<vmem>>
      %dma_start3A_61 = tpu.memref_squeeze %dma_start3A_60 : memref<1x1x32xf32, #tpu.memory_space<vmem>> -> memref<32xf32, #tpu.memory_space<vmem>>
      %dma_start3A_62 = arith.constant 0 : i32
      %dma_start3A_63 = tpu.memref_slice %arg2[%squeeze3A_49, %squeeze3A_51, %dma_start3A_62] : memref<125000x8x32xf32, #tpu.memory_space<hbm>> -> memref<1x1x32xf32, #tpu.memory_space<hbm>>
      %dma_start3A_64 = tpu.memref_squeeze %dma_start3A_63 : memref<1x1x32xf32, #tpu.memory_space<hbm>> -> memref<32xf32, #tpu.memory_space<hbm>>
      tpu.enqueue_dma source(%dma_start3A_64 : memref<32xf32, #tpu.memory_space<hbm>>) target(%dma_start3A_61 : memref<32xf32, #tpu.memory_space<vmem>>) target_semaphore(%arg9 : memref<!tpu.dma_semaphore, #tpu.memory_space<semaphore_mem>>)
      %mul3A_65 = arith.constant 4 : i32
      %mul3A_66 = arith.muli %add3A_18, %mul3A_65 : i32
      %add3A_67 = arith.constant 0 : i32
      %add3A_68 = arith.addi %mul3A_66, %add3A_67 : i32
      %slice3A_69 = vector.extract_strided_slice %get3A_21 {offsets = [2], sizes = [1], strides = [1]} : vector<16xi32> to vector<1xi32>
      %squeeze3A_70 = vector.extract %slice3A_69[0] : i32 from vector<1xi32>
      %slice3A_71 = vector.extract_strided_slice %get3A_25 {offsets = [2], sizes = [1], strides = [1]} : vector<16xi32> to vector<1xi32>
      %squeeze3A_72 = vector.extract %slice3A_71[0] : i32 from vector<1xi32>
      %dma_start3A_73 = arith.constant 0 : i32
      %dma_start3A_74 = arith.constant 64 : i32
      %dma_start3A_75 = tpu.memref_slice %arg8[%add3A_68, %dma_start3A_73, %dma_start3A_74] : memref<256x1x128xf32, #tpu.memory_space<vmem>> -> memref<1x1x32xf32, #tpu.memory_space<vmem>>
      %dma_start3A_76 = tpu.memref_squeeze %dma_start3A_75 : memref<1x1x32xf32, #tpu.memory_space<vmem>> -> memref<32xf32, #tpu.memory_space<vmem>>
      %dma_start3A_77 = arith.constant 0 : i32
      %dma_start3A_78 = tpu.memref_slice %arg2[%squeeze3A_70, %squeeze3A_72, %dma_start3A_77] : memref<125000x8x32xf32, #tpu.memory_space<hbm>> -> memref<1x1x32xf32, #tpu.memory_space<hbm>>
      %dma_start3A_79 = tpu.memref_squeeze %dma_start3A_78 : memref<1x1x32xf32, #tpu.memory_space<hbm>> -> memref<32xf32, #tpu.memory_space<hbm>>
      %dma_start3A_80 = arith.constant 64 : i32
      %dma_start3A_81 = tpu.memref_slice %arg8[%add3A_68, %dma_start3A_73, %dma_start3A_80] : memref<256x1x128xf32, #tpu.memory_space<vmem>> -> memref<1x1x32xf32, #tpu.memory_space<vmem>>
      %dma_start3A_82 = tpu.memref_squeeze %dma_start3A_81 : memref<1x1x32xf32, #tpu.memory_space<vmem>> -> memref<32xf32, #tpu.memory_space<vmem>>
      %dma_start3A_83 = arith.constant 0 : i32
      %dma_start3A_84 = tpu.memref_slice %arg2[%squeeze3A_70, %squeeze3A_72, %dma_start3A_83] : memref<125000x8x32xf32, #tpu.memory_space<hbm>> -> memref<1x1x32xf32, #tpu.memory_space<hbm>>
      %dma_start3A_85 = tpu.memref_squeeze %dma_start3A_84 : memref<1x1x32xf32, #tpu.memory_space<hbm>> -> memref<32xf32, #tpu.memory_space<hbm>>
      tpu.enqueue_dma source(%dma_start3A_85 : memref<32xf32, #tpu.memory_space<hbm>>) target(%dma_start3A_82 : memref<32xf32, #tpu.memory_space<vmem>>) target_semaphore(%arg9 : memref<!tpu.dma_semaphore, #tpu.memory_space<semaphore_mem>>)
      %mul3A_86 = arith.constant 4 : i32
      %mul3A_87 = arith.muli %add3A_18, %mul3A_86 : i32
      %add3A_88 = arith.constant 0 : i32
      %add3A_89 = arith.addi %mul3A_87, %add3A_88 : i32
      %slice3A_90 = vector.extract_strided_slice %get3A_21 {offsets = [3], sizes = [1], strides = [1]} : vector<16xi32> to vector<1xi32>
      %squeeze3A_91 = vector.extract %slice3A_90[0] : i32 from vector<1xi32>
      %slice3A_92 = vector.extract_strided_slice %get3A_25 {offsets = [3], sizes = [1], strides = [1]} : vector<16xi32> to vector<1xi32>
      %squeeze3A_93 = vector.extract %slice3A_92[0] : i32 from vector<1xi32>
      %dma_start3A_94 = arith.constant 0 : i32
      %dma_start3A_95 = arith.constant 96 : i32
      %dma_start3A_96 = tpu.memref_slice %arg8[%add3A_89, %dma_start3A_94, %dma_start3A_95] : memref<256x1x128xf32, #tpu.memory_space<vmem>> -> memref<1x1x32xf32, #tpu.memory_space<vmem>>
      %dma_start3A_97 = tpu.memref_squeeze %dma_start3A_96 : memref<1x1x32xf32, #tpu.memory_space<vmem>> -> memref<32xf32, #tpu.memory_space<vmem>>
      %dma_start3A_98 = arith.constant 0 : i32
      %dma_start3A_99 = tpu.memref_slice %arg2[%squeeze3A_91, %squeeze3A_93, %dma_start3A_98] : memref<125000x8x32xf32, #tpu.memory_space<hbm>> -> memref<1x1x32xf32, #tpu.memory_space<hbm>>
      %dma_start3A_100 = tpu.memref_squeeze %dma_start3A_99 : memref<1x1x32xf32, #tpu.memory_space<hbm>> -> memref<32xf32, #tpu.memory_space<hbm>>
      %dma_start3A_101 = arith.constant 96 : i32
      %dma_start3A_102 = tpu.memref_slice %arg8[%add3A_89, %dma_start3A_94, %dma_start3A_101] : memref<256x1x128xf32, #tpu.memory_space<vmem>> -> memref<1x1x32xf32, #tpu.memory_space<vmem>>
      %dma_start3A_103 = tpu.memref_squeeze %dma_start3A_102 : memref<1x1x32xf32, #tpu.memory_space<vmem>> -> memref<32xf32, #tpu.memory_space<vmem>>
      %dma_start3A_104 = arith.constant 0 : i32
      %dma_start3A_105 = tpu.memref_slice %arg2[%squeeze3A_91, %squeeze3A_93, %dma_start3A_104] : memref<125000x8x32xf32, #tpu.memory_space<hbm>> -> memref<1x1x32xf32, #tpu.memory_space<hbm>>
      %dma_start3A_106 = tpu.memref_squeeze %dma_start3A_105 : memref<1x1x32xf32, #tpu.memory_space<hbm>> -> memref<32xf32, #tpu.memory_space<hbm>>
      tpu.enqueue_dma source(%dma_start3A_106 : memref<32xf32, #tpu.memory_space<hbm>>) target(%dma_start3A_103 : memref<32xf32, #tpu.memory_space<vmem>>) target_semaphore(%arg9 : memref<!tpu.dma_semaphore, #tpu.memory_space<semaphore_mem>>)
      %mul3A_107 = arith.constant 4 : i32
      %mul3A_108 = arith.muli %add3A_18, %mul3A_107 : i32
      %add3A_109 = arith.constant 1 : i32
      %add3A_110 = arith.addi %mul3A_108, %add3A_109 : i32
      %slice3A_111 = vector.extract_strided_slice %get3A_21 {offsets = [4], sizes = [1], strides = [1]} : vector<16xi32> to vector<1xi32>
      %squeeze3A_112 = vector.extract %slice3A_111[0] : i32 from vector<1xi32>
      %slice3A_113 = vector.extract_strided_slice %get3A_25 {offsets = [4], sizes = [1], strides = [1]} : vector<16xi32> to vector<1xi32>
      %squeeze3A_114 = vector.extract %slice3A_113[0] : i32 from vector<1xi32>
      %dma_start3A_115 = arith.constant 0 : i32
      %dma_start3A_116 = arith.constant 0 : i32
      %dma_start3A_117 = tpu.memref_slice %arg8[%add3A_110, %dma_start3A_115, %dma_start3A_116] : memref<256x1x128xf32, #tpu.memory_space<vmem>> -> memref<1x1x32xf32, #tpu.memory_space<vmem>>
      %dma_start3A_118 = tpu.memref_squeeze %dma_start3A_117 : memref<1x1x32xf32, #tpu.memory_space<vmem>> -> memref<32xf32, #tpu.memory_space<vmem>>
      %dma_start3A_119 = arith.constant 0 : i32
      %dma_start3A_120 = tpu.memref_slice %arg2[%squeeze3A_112, %squeeze3A_114, %dma_start3A_119] : memref<125000x8x32xf32, #tpu.memory_space<hbm>> -> memref<1x1x32xf32, #tpu.memory_space<hbm>>
      %dma_start3A_121 = tpu.memref_squeeze %dma_start3A_120 : memref<1x1x32xf32, #tpu.memory_space<hbm>> -> memref<32xf32, #tpu.memory_space<hbm>>
      %dma_start3A_122 = arith.constant 0 : i32
      %dma_start3A_123 = tpu.memref_slice %arg8[%add3A_110, %dma_start3A_115, %dma_start3A_122] : memref<256x1x128xf32, #tpu.memory_space<vmem>> -> memref<1x1x32xf32, #tpu.memory_space<vmem>>
      %dma_start3A_124 = tpu.memref_squeeze %dma_start3A_123 : memref<1x1x32xf32, #tpu.memory_space<vmem>> -> memref<32xf32, #tpu.memory_space<vmem>>
      %dma_start3A_125 = arith.constant 0 : i32
      %dma_start3A_126 = tpu.memref_slice %arg2[%squeeze3A_112, %squeeze3A_114, %dma_start3A_125] : memref<125000x8x32xf32, #tpu.memory_space<hbm>> -> memref<1x1x32xf32, #tpu.memory_space<hbm>>
      %dma_start3A_127 = tpu.memref_squeeze %dma_start3A_126 : memref<1x1x32xf32, #tpu.memory_space<hbm>> -> memref<32xf32, #tpu.memory_space<hbm>>
      tpu.enqueue_dma source(%dma_start3A_127 : memref<32xf32, #tpu.memory_space<hbm>>) target(%dma_start3A_124 : memref<32xf32, #tpu.memory_space<vmem>>) target_semaphore(%arg9 : memref<!tpu.dma_semaphore, #tpu.memory_space<semaphore_mem>>)
      %mul3A_128 = arith.constant 4 : i32
      %mul3A_129 = arith.muli %add3A_18, %mul3A_128 : i32
      %add3A_130 = arith.constant 1 : i32
      %add3A_131 = arith.addi %mul3A_129, %add3A_130 : i32
      %slice3A_132 = vector.extract_strided_slice %get3A_21 {offsets = [5], sizes = [1], strides = [1]} : vector<16xi32> to vector<1xi32>
      %squeeze3A_133 = vector.extract %slice3A_132[0] : i32 from vector<1xi32>
      %slice3A_134 = vector.extract_strided_slice %get3A_25 {offsets = [5], sizes = [1], strides = [1]} : vector<16xi32> to vector<1xi32>
      %squeeze3A_135 = vector.extract %slice3A_134[0] : i32 from vector<1xi32>
      %dma_start3A_136 = arith.constant 0 : i32
      %dma_start3A_137 = arith.constant 32 : i32
      %dma_start3A_138 = tpu.memref_slice %arg8[%add3A_131, %dma_start3A_136, %dma_start3A_137] : memref<256x1x128xf32, #tpu.memory_space<vmem>> -> memref<1x1x32xf32, #tpu.memory_space<vmem>>
      %dma_start3A_139 = tpu.memref_squeeze %dma_start3A_138 : memref<1x1x32xf32, #tpu.memory_space<vmem>> -> memref<32xf32, #tpu.memory_space<vmem>>
      %dma_start3A_140 = arith.constant 0 : i32
      %dma_start3A_141 = tpu.memref_slice %arg2[%squeeze3A_133, %squeeze3A_135, %dma_start3A_140] : memref<125000x8x32xf32, #tpu.memory_space<hbm>> -> memref<1x1x32xf32, #tpu.memory_space<hbm>>
      %dma_start3A_142 = tpu.memref_squeeze %dma_start3A_141 : memref<1x1x32xf32, #tpu.memory_space<hbm>> -> memref<32xf32, #tpu.memory_space<hbm>>
      %dma_start3A_143 = arith.constant 32 : i32
      %dma_start3A_144 = tpu.memref_slice %arg8[%add3A_131, %dma_start3A_136, %dma_start3A_143] : memref<256x1x128xf32, #tpu.memory_space<vmem>> -> memref<1x1x32xf32, #tpu.memory_space<vmem>>
      %dma_start3A_145 = tpu.memref_squeeze %dma_start3A_144 : memref<1x1x32xf32, #tpu.memory_space<vmem>> -> memref<32xf32, #tpu.memory_space<vmem>>
      %dma_start3A_146 = arith.constant 0 : i32
      %dma_start3A_147 = tpu.memref_slice %arg2[%squeeze3A_133, %squeeze3A_135, %dma_start3A_146] : memref<125000x8x32xf32, #tpu.memory_space<hbm>> -> memref<1x1x32xf32, #tpu.memory_space<hbm>>
      %dma_start3A_148 = tpu.memref_squeeze %dma_start3A_147 : memref<1x1x32xf32, #tpu.memory_space<hbm>> -> memref<32xf32, #tpu.memory_space<hbm>>
      tpu.enqueue_dma source(%dma_start3A_148 : memref<32xf32, #tpu.memory_space<hbm>>) target(%dma_start3A_145 : memref<32xf32, #tpu.memory_space<vmem>>) target_semaphore(%arg9 : memref<!tpu.dma_semaphore, #tpu.memory_space<semaphore_mem>>)
      %mul3A_149 = arith.constant 4 : i32
      %mul3A_150 = arith.muli %add3A_18, %mul3A_149 : i32
      %add3A_151 = arith.constant 1 : i32
      %add3A_152 = arith.addi %mul3A_150, %add3A_151 : i32
      %slice3A_153 = vector.extract_strided_slice %get3A_21 {offsets = [6], sizes = [1], strides = [1]} : vector<16xi32> to vector<1xi32>
      %squeeze3A_154 = vector.extract %slice3A_153[0] : i32 from vector<1xi32>
      %slice3A_155 = vector.extract_strided_slice %get3A_25 {offsets = [6], sizes = [1], strides = [1]} : vector<16xi32> to vector<1xi32>
      %squeeze3A_156 = vector.extract %slice3A_155[0] : i32 from vector<1xi32>
      %dma_start3A_157 = arith.constant 0 : i32
      %dma_start3A_158 = arith.constant 64 : i32
      %dma_start3A_159 = tpu.memref_slice %arg8[%add3A_152, %dma_start3A_157, %dma_start3A_158] : memref<256x1x128xf32, #tpu.memory_space<vmem>> -> memref<1x1x32xf32, #tpu.memory_space<vmem>>
      %dma_start3A_160 = tpu.memref_squeeze %dma_start3A_159 : memref<1x1x32xf32, #tpu.memory_space<vmem>> -> memref<32xf32, #tpu.memory_space<vmem>>
      %dma_start3A_161 = arith.constant 0 : i32
      %dma_start3A_162 = tpu.memref_slice %arg2[%squeeze3A_154, %squeeze3A_156, %dma_start3A_161] : memref<125000x8x32xf32, #tpu.memory_space<hbm>> -> memref<1x1x32xf32, #tpu.memory_space<hbm>>
      %dma_start3A_163 = tpu.memref_squeeze %dma_start3A_162 : memref<1x1x32xf32, #tpu.memory_space<hbm>> -> memref<32xf32, #tpu.memory_space<hbm>>
      %dma_start3A_164 = arith.constant 64 : i32
      %dma_start3A_165 = tpu.memref_slice %arg8[%add3A_152, %dma_start3A_157, %dma_start3A_164] : memref<256x1x128xf32, #tpu.memory_space<vmem>> -> memref<1x1x32xf32, #tpu.memory_space<vmem>>
      %dma_start3A_166 = tpu.memref_squeeze %dma_start3A_165 : memref<1x1x32xf32, #tpu.memory_space<vmem>> -> memref<32xf32, #tpu.memory_space<vmem>>
      %dma_start3A_167 = arith.constant 0 : i32
      %dma_start3A_168 = tpu.memref_slice %arg2[%squeeze3A_154, %squeeze3A_156, %dma_start3A_167] : memref<125000x8x32xf32, #tpu.memory_space<hbm>> -> memref<1x1x32xf32, #tpu.memory_space<hbm>>
      %dma_start3A_169 = tpu.memref_squeeze %dma_start3A_168 : memref<1x1x32xf32, #tpu.memory_space<hbm>> -> memref<32xf32, #tpu.memory_space<hbm>>
      tpu.enqueue_dma source(%dma_start3A_169 : memref<32xf32, #tpu.memory_space<hbm>>) target(%dma_start3A_166 : memref<32xf32, #tpu.memory_space<vmem>>) target_semaphore(%arg9 : memref<!tpu.dma_semaphore, #tpu.memory_space<semaphore_mem>>)
      %mul3A_170 = arith.constant 4 : i32
      %mul3A_171 = arith.muli %add3A_18, %mul3A_170 : i32
      %add3A_172 = arith.constant 1 : i32
      %add3A_173 = arith.addi %mul3A_171, %add3A_172 : i32
      %slice3A_174 = vector.extract_strided_slice %get3A_21 {offsets = [7], sizes = [1], strides = [1]} : vector<16xi32> to vector<1xi32>
      %squeeze3A_175 = vector.extract %slice3A_174[0] : i32 from vector<1xi32>
      %slice3A_176 = vector.extract_strided_slice %get3A_25 {offsets = [7], sizes = [1], strides = [1]} : vector<16xi32> to vector<1xi32>
      %squeeze3A_177 = vector.extract %slice3A_176[0] : i32 from vector<1xi32>
      %dma_start3A_178 = arith.constant 0 : i32
      %dma_start3A_179 = arith.constant 96 : i32
      %dma_start3A_180 = tpu.memref_slice %arg8[%add3A_173, %dma_start3A_178, %dma_start3A_179] : memref<256x1x128xf32, #tpu.memory_space<vmem>> -> memref<1x1x32xf32, #tpu.memory_space<vmem>>
      %dma_start3A_181 = tpu.memref_squeeze %dma_start3A_180 : memref<1x1x32xf32, #tpu.memory_space<vmem>> -> memref<32xf32, #tpu.memory_space<vmem>>
      %dma_start3A_182 = arith.constant 0 : i32
      %dma_start3A_183 = tpu.memref_slice %arg2[%squeeze3A_175, %squeeze3A_177, %dma_start3A_182] : memref<125000x8x32xf32, #tpu.memory_space<hbm>> -> memref<1x1x32xf32, #tpu.memory_space<hbm>>
      %dma_start3A_184 = tpu.memref_squeeze %dma_start3A_183 : memref<1x1x32xf32, #tpu.memory_space<hbm>> -> memref<32xf32, #tpu.memory_space<hbm>>
      %dma_start3A_185 = arith.constant 96 : i32
      %dma_start3A_186 = tpu.memref_slice %arg8[%add3A_173, %dma_start3A_178, %dma_start3A_185] : memref<256x1x128xf32, #tpu.memory_space<vmem>> -> memref<1x1x32xf32, #tpu.memory_space<vmem>>
      %dma_start3A_187 = tpu.memref_squeeze %dma_start3A_186 : memref<1x1x32xf32, #tpu.memory_space<vmem>> -> memref<32xf32, #tpu.memory_space<vmem>>
      %dma_start3A_188 = arith.constant 0 : i32
      %dma_start3A_189 = tpu.memref_slice %arg2[%squeeze3A_175, %squeeze3A_177, %dma_start3A_188] : memref<125000x8x32xf32, #tpu.memory_space<hbm>> -> memref<1x1x32xf32, #tpu.memory_space<hbm>>
      %dma_start3A_190 = tpu.memref_squeeze %dma_start3A_189 : memref<1x1x32xf32, #tpu.memory_space<hbm>> -> memref<32xf32, #tpu.memory_space<hbm>>
      tpu.enqueue_dma source(%dma_start3A_190 : memref<32xf32, #tpu.memory_space<hbm>>) target(%dma_start3A_187 : memref<32xf32, #tpu.memory_space<vmem>>) target_semaphore(%arg9 : memref<!tpu.dma_semaphore, #tpu.memory_space<semaphore_mem>>)
      %mul3A_191 = arith.constant 4 : i32
      %mul3A_192 = arith.muli %add3A_18, %mul3A_191 : i32
      %add3A_193 = arith.constant 2 : i32
      %add3A_194 = arith.addi %mul3A_192, %add3A_193 : i32
      %slice3A_195 = vector.extract_strided_slice %get3A_21 {offsets = [8], sizes = [1], strides = [1]} : vector<16xi32> to vector<1xi32>
      %squeeze3A_196 = vector.extract %slice3A_195[0] : i32 from vector<1xi32>
      %slice3A_197 = vector.extract_strided_slice %get3A_25 {offsets = [8], sizes = [1], strides = [1]} : vector<16xi32> to vector<1xi32>
      %squeeze3A_198 = vector.extract %slice3A_197[0] : i32 from vector<1xi32>
      %dma_start3A_199 = arith.constant 0 : i32
      %dma_start3A_200 = arith.constant 0 : i32
      %dma_start3A_201 = tpu.memref_slice %arg8[%add3A_194, %dma_start3A_199, %dma_start3A_200] : memref<256x1x128xf32, #tpu.memory_space<vmem>> -> memref<1x1x32xf32, #tpu.memory_space<vmem>>
      %dma_start3A_202 = tpu.memref_squeeze %dma_start3A_201 : memref<1x1x32xf32, #tpu.memory_space<vmem>> -> memref<32xf32, #tpu.memory_space<vmem>>
      %dma_start3A_203 = arith.constant 0 : i32
      %dma_start3A_204 = tpu.memref_slice %arg2[%squeeze3A_196, %squeeze3A_198, %dma_start3A_203] : memref<125000x8x32xf32, #tpu.memory_space<hbm>> -> memref<1x1x32xf32, #tpu.memory_space<hbm>>
      %dma_start3A_205 = tpu.memref_squeeze %dma_start3A_204 : memref<1x1x32xf32, #tpu.memory_space<hbm>> -> memref<32xf32, #tpu.memory_space<hbm>>
      %dma_start3A_206 = arith.constant 0 : i32
      %dma_start3A_207 = tpu.memref_slice %arg8[%add3A_194, %dma_start3A_199, %dma_start3A_206] : memref<256x1x128xf32, #tpu.memory_space<vmem>> -> memref<1x1x32xf32, #tpu.memory_space<vmem>>
      %dma_start3A_208 = tpu.memref_squeeze %dma_start3A_207 : memref<1x1x32xf32, #tpu.memory_space<vmem>> -> memref<32xf32, #tpu.memory_space<vmem>>
      %dma_start3A_209 = arith.constant 0 : i32
      %dma_start3A_210 = tpu.memref_slice %arg2[%squeeze3A_196, %squeeze3A_198, %dma_start3A_209] : memref<125000x8x32xf32, #tpu.memory_space<hbm>> -> memref<1x1x32xf32, #tpu.memory_space<hbm>>
      %dma_start3A_211 = tpu.memref_squeeze %dma_start3A_210 : memref<1x1x32xf32, #tpu.memory_space<hbm>> -> memref<32xf32, #tpu.memory_space<hbm>>
      tpu.enqueue_dma source(%dma_start3A_211 : memref<32xf32, #tpu.memory_space<hbm>>) target(%dma_start3A_208 : memref<32xf32, #tpu.memory_space<vmem>>) target_semaphore(%arg9 : memref<!tpu.dma_semaphore, #tpu.memory_space<semaphore_mem>>)
      %mul3A_212 = arith.constant 4 : i32
      %mul3A_213 = arith.muli %add3A_18, %mul3A_212 : i32
      %add3A_214 = arith.constant 2 : i32
      %add3A_215 = arith.addi %mul3A_213, %add3A_214 : i32
      %slice3A_216 = vector.extract_strided_slice %get3A_21 {offsets = [9], sizes = [1], strides = [1]} : vector<16xi32> to vector<1xi32>
      %squeeze3A_217 = vector.extract %slice3A_216[0] : i32 from vector<1xi32>
      %slice3A_218 = vector.extract_strided_slice %get3A_25 {offsets = [9], sizes = [1], strides = [1]} : vector<16xi32> to vector<1xi32>
      %squeeze3A_219 = vector.extract %slice3A_218[0] : i32 from vector<1xi32>
      %dma_start3A_220 = arith.constant 0 : i32
      %dma_start3A_221 = arith.constant 32 : i32
      %dma_start3A_222 = tpu.memref_slice %arg8[%add3A_215, %dma_start3A_220, %dma_start3A_221] : memref<256x1x128xf32, #tpu.memory_space<vmem>> -> memref<1x1x32xf32, #tpu.memory_space<vmem>>
      %dma_start3A_223 = tpu.memref_squeeze %dma_start3A_222 : memref<1x1x32xf32, #tpu.memory_space<vmem>> -> memref<32xf32, #tpu.memory_space<vmem>>
      %dma_start3A_224 = arith.constant 0 : i32
      %dma_start3A_225 = tpu.memref_slice %arg2[%squeeze3A_217, %squeeze3A_219, %dma_start3A_224] : memref<125000x8x32xf32, #tpu.memory_space<hbm>> -> memref<1x1x32xf32, #tpu.memory_space<hbm>>
      %dma_start3A_226 = tpu.memref_squeeze %dma_start3A_225 : memref<1x1x32xf32, #tpu.memory_space<hbm>> -> memref<32xf32, #tpu.memory_space<hbm>>
      %dma_start3A_227 = arith.constant 32 : i32
      %dma_start3A_228 = tpu.memref_slice %arg8[%add3A_215, %dma_start3A_220, %dma_start3A_227] : memref<256x1x128xf32, #tpu.memory_space<vmem>> -> memref<1x1x32xf32, #tpu.memory_space<vmem>>
      %dma_start3A_229 = tpu.memref_squeeze %dma_start3A_228 : memref<1x1x32xf32, #tpu.memory_space<vmem>> -> memref<32xf32, #tpu.memory_space<vmem>>
      %dma_start3A_230 = arith.constant 0 : i32
      %dma_start3A_231 = tpu.memref_slice %arg2[%squeeze3A_217, %squeeze3A_219, %dma_start3A_230] : memref<125000x8x32xf32, #tpu.memory_space<hbm>> -> memref<1x1x32xf32, #tpu.memory_space<hbm>>
      %dma_start3A_232 = tpu.memref_squeeze %dma_start3A_231 : memref<1x1x32xf32, #tpu.memory_space<hbm>> -> memref<32xf32, #tpu.memory_space<hbm>>
      tpu.enqueue_dma source(%dma_start3A_232 : memref<32xf32, #tpu.memory_space<hbm>>) target(%dma_start3A_229 : memref<32xf32, #tpu.memory_space<vmem>>) target_semaphore(%arg9 : memref<!tpu.dma_semaphore, #tpu.memory_space<semaphore_mem>>)
      %mul3A_233 = arith.constant 4 : i32
      %mul3A_234 = arith.muli %add3A_18, %mul3A_233 : i32
      %add3A_235 = arith.constant 2 : i32
      %add3A_236 = arith.addi %mul3A_234, %add3A_235 : i32
      %slice3A_237 = vector.extract_strided_slice %get3A_21 {offsets = [10], sizes = [1], strides = [1]} : vector<16xi32> to vector<1xi32>
      %squeeze3A_238 = vector.extract %slice3A_237[0] : i32 from vector<1xi32>
      %slice3A_239 = vector.extract_strided_slice %get3A_25 {offsets = [10], sizes = [1], strides = [1]} : vector<16xi32> to vector<1xi32>
      %squeeze3A_240 = vector.extract %slice3A_239[0] : i32 from vector<1xi32>
      %dma_start3A_241 = arith.constant 0 : i32
      %dma_start3A_242 = arith.constant 64 : i32
      %dma_start3A_243 = tpu.memref_slice %arg8[%add3A_236, %dma_start3A_241, %dma_start3A_242] : memref<256x1x128xf32, #tpu.memory_space<vmem>> -> memref<1x1x32xf32, #tpu.memory_space<vmem>>
      %dma_start3A_244 = tpu.memref_squeeze %dma_start3A_243 : memref<1x1x32xf32, #tpu.memory_space<vmem>> -> memref<32xf32, #tpu.memory_space<vmem>>
      %dma_start3A_245 = arith.constant 0 : i32
      %dma_start3A_246 = tpu.memref_slice %arg2[%squeeze3A_238, %squeeze3A_240, %dma_start3A_245] : memref<125000x8x32xf32, #tpu.memory_space<hbm>> -> memref<1x1x32xf32, #tpu.memory_space<hbm>>
      %dma_start3A_247 = tpu.memref_squeeze %dma_start3A_246 : memref<1x1x32xf32, #tpu.memory_space<hbm>> -> memref<32xf32, #tpu.memory_space<hbm>>
      %dma_start3A_248 = arith.constant 64 : i32
      %dma_start3A_249 = tpu.memref_slice %arg8[%add3A_236, %dma_start3A_241, %dma_start3A_248] : memref<256x1x128xf32, #tpu.memory_space<vmem>> -> memref<1x1x32xf32, #tpu.memory_space<vmem>>
      %dma_start3A_250 = tpu.memref_squeeze %dma_start3A_249 : memref<1x1x32xf32, #tpu.memory_space<vmem>> -> memref<32xf32, #tpu.memory_space<vmem>>
      %dma_start3A_251 = arith.constant 0 : i32
      %dma_start3A_252 = tpu.memref_slice %arg2[%squeeze3A_238, %squeeze3A_240, %dma_start3A_251] : memref<125000x8x32xf32, #tpu.memory_space<hbm>> -> memref<1x1x32xf32, #tpu.memory_space<hbm>>
      %dma_start3A_253 = tpu.memref_squeeze %dma_start3A_252 : memref<1x1x32xf32, #tpu.memory_space<hbm>> -> memref<32xf32, #tpu.memory_space<hbm>>
      tpu.enqueue_dma source(%dma_start3A_253 : memref<32xf32, #tpu.memory_space<hbm>>) target(%dma_start3A_250 : memref<32xf32, #tpu.memory_space<vmem>>) target_semaphore(%arg9 : memref<!tpu.dma_semaphore, #tpu.memory_space<semaphore_mem>>)
      %mul3A_254 = arith.constant 4 : i32
      %mul3A_255 = arith.muli %add3A_18, %mul3A_254 : i32
      %add3A_256 = arith.constant 2 : i32
      %add3A_257 = arith.addi %mul3A_255, %add3A_256 : i32
      %slice3A_258 = vector.extract_strided_slice %get3A_21 {offsets = [11], sizes = [1], strides = [1]} : vector<16xi32> to vector<1xi32>
      %squeeze3A_259 = vector.extract %slice3A_258[0] : i32 from vector<1xi32>
      %slice3A_260 = vector.extract_strided_slice %get3A_25 {offsets = [11], sizes = [1], strides = [1]} : vector<16xi32> to vector<1xi32>
      %squeeze3A_261 = vector.extract %slice3A_260[0] : i32 from vector<1xi32>
      %dma_start3A_262 = arith.constant 0 : i32
      %dma_start3A_263 = arith.constant 96 : i32
      %dma_start3A_264 = tpu.memref_slice %arg8[%add3A_257, %dma_start3A_262, %dma_start3A_263] : memref<256x1x128xf32, #tpu.memory_space<vmem>> -> memref<1x1x32xf32, #tpu.memory_space<vmem>>
      %dma_start3A_265 = tpu.memref_squeeze %dma_start3A_264 : memref<1x1x32xf32, #tpu.memory_space<vmem>> -> memref<32xf32, #tpu.memory_space<vmem>>
      %dma_start3A_266 = arith.constant 0 : i32
      %dma_start3A_267 = tpu.memref_slice %arg2[%squeeze3A_259, %squeeze3A_261, %dma_start3A_266] : memref<125000x8x32xf32, #tpu.memory_space<hbm>> -> memref<1x1x32xf32, #tpu.memory_space<hbm>>
      %dma_start3A_268 = tpu.memref_squeeze %dma_start3A_267 : memref<1x1x32xf32, #tpu.memory_space<hbm>> -> memref<32xf32, #tpu.memory_space<hbm>>
      %dma_start3A_269 = arith.constant 96 : i32
      %dma_start3A_270 = tpu.memref_slice %arg8[%add3A_257, %dma_start3A_262, %dma_start3A_269] : memref<256x1x128xf32, #tpu.memory_space<vmem>> -> memref<1x1x32xf32, #tpu.memory_space<vmem>>
      %dma_start3A_271 = tpu.memref_squeeze %dma_start3A_270 : memref<1x1x32xf32, #tpu.memory_space<vmem>> -> memref<32xf32, #tpu.memory_space<vmem>>
      %dma_start3A_272 = arith.constant 0 : i32
      %dma_start3A_273 = tpu.memref_slice %arg2[%squeeze3A_259, %squeeze3A_261, %dma_start3A_272] : memref<125000x8x32xf32, #tpu.memory_space<hbm>> -> memref<1x1x32xf32, #tpu.memory_space<hbm>>
      %dma_start3A_274 = tpu.memref_squeeze %dma_start3A_273 : memref<1x1x32xf32, #tpu.memory_space<hbm>> -> memref<32xf32, #tpu.memory_space<hbm>>
      tpu.enqueue_dma source(%dma_start3A_274 : memref<32xf32, #tpu.memory_space<hbm>>) target(%dma_start3A_271 : memref<32xf32, #tpu.memory_space<vmem>>) target_semaphore(%arg9 : memref<!tpu.dma_semaphore, #tpu.memory_space<semaphore_mem>>)
      %mul3A_275 = arith.constant 4 : i32
      %mul3A_276 = arith.muli %add3A_18, %mul3A_275 : i32
      %add3A_277 = arith.constant 3 : i32
      %add3A_278 = arith.addi %mul3A_276, %add3A_277 : i32
      %slice3A_279 = vector.extract_strided_slice %get3A_21 {offsets = [12], sizes = [1], strides = [1]} : vector<16xi32> to vector<1xi32>
      %squeeze3A_280 = vector.extract %slice3A_279[0] : i32 from vector<1xi32>
      %slice3A_281 = vector.extract_strided_slice %get3A_25 {offsets = [12], sizes = [1], strides = [1]} : vector<16xi32> to vector<1xi32>
      %squeeze3A_282 = vector.extract %slice3A_281[0] : i32 from vector<1xi32>
      %dma_start3A_283 = arith.constant 0 : i32
      %dma_start3A_284 = arith.constant 0 : i32
      %dma_start3A_285 = tpu.memref_slice %arg8[%add3A_278, %dma_start3A_283, %dma_start3A_284] : memref<256x1x128xf32, #tpu.memory_space<vmem>> -> memref<1x1x32xf32, #tpu.memory_space<vmem>>
      %dma_start3A_286 = tpu.memref_squeeze %dma_start3A_285 : memref<1x1x32xf32, #tpu.memory_space<vmem>> -> memref<32xf32, #tpu.memory_space<vmem>>
      %dma_start3A_287 = arith.constant 0 : i32
      %dma_start3A_288 = tpu.memref_slice %arg2[%squeeze3A_280, %squeeze3A_282, %dma_start3A_287] : memref<125000x8x32xf32, #tpu.memory_space<hbm>> -> memref<1x1x32xf32, #tpu.memory_space<hbm>>
      %dma_start3A_289 = tpu.memref_squeeze %dma_start3A_288 : memref<1x1x32xf32, #tpu.memory_space<hbm>> -> memref<32xf32, #tpu.memory_space<hbm>>
      %dma_start3A_290 = arith.constant 0 : i32
      %dma_start3A_291 = tpu.memref_slice %arg8[%add3A_278, %dma_start3A_283, %dma_start3A_290] : memref<256x1x128xf32, #tpu.memory_space<vmem>> -> memref<1x1x32xf32, #tpu.memory_space<vmem>>
      %dma_start3A_292 = tpu.memref_squeeze %dma_start3A_291 : memref<1x1x32xf32, #tpu.memory_space<vmem>> -> memref<32xf32, #tpu.memory_space<vmem>>
      %dma_start3A_293 = arith.constant 0 : i32
      %dma_start3A_294 = tpu.memref_slice %arg2[%squeeze3A_280, %squeeze3A_282, %dma_start3A_293] : memref<125000x8x32xf32, #tpu.memory_space<hbm>> -> memref<1x1x32xf32, #tpu.memory_space<hbm>>
      %dma_start3A_295 = tpu.memref_squeeze %dma_start3A_294 : memref<1x1x32xf32, #tpu.memory_space<hbm>> -> memref<32xf32, #tpu.memory_space<hbm>>
      tpu.enqueue_dma source(%dma_start3A_295 : memref<32xf32, #tpu.memory_space<hbm>>) target(%dma_start3A_292 : memref<32xf32, #tpu.memory_space<vmem>>) target_semaphore(%arg9 : memref<!tpu.dma_semaphore, #tpu.memory_space<semaphore_mem>>)
      %mul3A_296 = arith.constant 4 : i32
      %mul3A_297 = arith.muli %add3A_18, %mul3A_296 : i32
      %add3A_298 = arith.constant 3 : i32
      %add3A_299 = arith.addi %mul3A_297, %add3A_298 : i32
      %slice3A_300 = vector.extract_strided_slice %get3A_21 {offsets = [13], sizes = [1], strides = [1]} : vector<16xi32> to vector<1xi32>
      %squeeze3A_301 = vector.extract %slice3A_300[0] : i32 from vector<1xi32>
      %slice3A_302 = vector.extract_strided_slice %get3A_25 {offsets = [13], sizes = [1], strides = [1]} : vector<16xi32> to vector<1xi32>
      %squeeze3A_303 = vector.extract %slice3A_302[0] : i32 from vector<1xi32>
      %dma_start3A_304 = arith.constant 0 : i32
      %dma_start3A_305 = arith.constant 32 : i32
      %dma_start3A_306 = tpu.memref_slice %arg8[%add3A_299, %dma_start3A_304, %dma_start3A_305] : memref<256x1x128xf32, #tpu.memory_space<vmem>> -> memref<1x1x32xf32, #tpu.memory_space<vmem>>
      %dma_start3A_307 = tpu.memref_squeeze %dma_start3A_306 : memref<1x1x32xf32, #tpu.memory_space<vmem>> -> memref<32xf32, #tpu.memory_space<vmem>>
      %dma_start3A_308 = arith.constant 0 : i32
      %dma_start3A_309 = tpu.memref_slice %arg2[%squeeze3A_301, %squeeze3A_303, %dma_start3A_308] : memref<125000x8x32xf32, #tpu.memory_space<hbm>> -> memref<1x1x32xf32, #tpu.memory_space<hbm>>
      %dma_start3A_310 = tpu.memref_squeeze %dma_start3A_309 : memref<1x1x32xf32, #tpu.memory_space<hbm>> -> memref<32xf32, #tpu.memory_space<hbm>>
      %dma_start3A_311 = arith.constant 32 : i32
      %dma_start3A_312 = tpu.memref_slice %arg8[%add3A_299, %dma_start3A_304, %dma_start3A_311] : memref<256x1x128xf32, #tpu.memory_space<vmem>> -> memref<1x1x32xf32, #tpu.memory_space<vmem>>
      %dma_start3A_313 = tpu.memref_squeeze %dma_start3A_312 : memref<1x1x32xf32, #tpu.memory_space<vmem>> -> memref<32xf32, #tpu.memory_space<vmem>>
      %dma_start3A_314 = arith.constant 0 : i32
      %dma_start3A_315 = tpu.memref_slice %arg2[%squeeze3A_301, %squeeze3A_303, %dma_start3A_314] : memref<125000x8x32xf32, #tpu.memory_space<hbm>> -> memref<1x1x32xf32, #tpu.memory_space<hbm>>
      %dma_start3A_316 = tpu.memref_squeeze %dma_start3A_315 : memref<1x1x32xf32, #tpu.memory_space<hbm>> -> memref<32xf32, #tpu.memory_space<hbm>>
      tpu.enqueue_dma source(%dma_start3A_316 : memref<32xf32, #tpu.memory_space<hbm>>) target(%dma_start3A_313 : memref<32xf32, #tpu.memory_space<vmem>>) target_semaphore(%arg9 : memref<!tpu.dma_semaphore, #tpu.memory_space<semaphore_mem>>)
      %mul3A_317 = arith.constant 4 : i32
      %mul3A_318 = arith.muli %add3A_18, %mul3A_317 : i32
      %add3A_319 = arith.constant 3 : i32
      %add3A_320 = arith.addi %mul3A_318, %add3A_319 : i32
      %slice3A_321 = vector.extract_strided_slice %get3A_21 {offsets = [14], sizes = [1], strides = [1]} : vector<16xi32> to vector<1xi32>
      %squeeze3A_322 = vector.extract %slice3A_321[0] : i32 from vector<1xi32>
      %slice3A_323 = vector.extract_strided_slice %get3A_25 {offsets = [14], sizes = [1], strides = [1]} : vector<16xi32> to vector<1xi32>
      %squeeze3A_324 = vector.extract %slice3A_323[0] : i32 from vector<1xi32>
      %dma_start3A_325 = arith.constant 0 : i32
      %dma_start3A_326 = arith.constant 64 : i32
      %dma_start3A_327 = tpu.memref_slice %arg8[%add3A_320, %dma_start3A_325, %dma_start3A_326] : memref<256x1x128xf32, #tpu.memory_space<vmem>> -> memref<1x1x32xf32, #tpu.memory_space<vmem>>
      %dma_start3A_328 = tpu.memref_squeeze %dma_start3A_327 : memref<1x1x32xf32, #tpu.memory_space<vmem>> -> memref<32xf32, #tpu.memory_space<vmem>>
      %dma_start3A_329 = arith.constant 0 : i32
      %dma_start3A_330 = tpu.memref_slice %arg2[%squeeze3A_322, %squeeze3A_324, %dma_start3A_329] : memref<125000x8x32xf32, #tpu.memory_space<hbm>> -> memref<1x1x32xf32, #tpu.memory_space<hbm>>
      %dma_start3A_331 = tpu.memref_squeeze %dma_start3A_330 : memref<1x1x32xf32, #tpu.memory_space<hbm>> -> memref<32xf32, #tpu.memory_space<hbm>>
      %dma_start3A_332 = arith.constant 64 : i32
      %dma_start3A_333 = tpu.memref_slice %arg8[%add3A_320, %dma_start3A_325, %dma_start3A_332] : memref<256x1x128xf32, #tpu.memory_space<vmem>> -> memref<1x1x32xf32, #tpu.memory_space<vmem>>
      %dma_start3A_334 = tpu.memref_squeeze %dma_start3A_333 : memref<1x1x32xf32, #tpu.memory_space<vmem>> -> memref<32xf32, #tpu.memory_space<vmem>>
      %dma_start3A_335 = arith.constant 0 : i32
      %dma_start3A_336 = tpu.memref_slice %arg2[%squeeze3A_322, %squeeze3A_324, %dma_start3A_335] : memref<125000x8x32xf32, #tpu.memory_space<hbm>> -> memref<1x1x32xf32, #tpu.memory_space<hbm>>
      %dma_start3A_337 = tpu.memref_squeeze %dma_start3A_336 : memref<1x1x32xf32, #tpu.memory_space<hbm>> -> memref<32xf32, #tpu.memory_space<hbm>>
      tpu.enqueue_dma source(%dma_start3A_337 : memref<32xf32, #tpu.memory_space<hbm>>) target(%dma_start3A_334 : memref<32xf32, #tpu.memory_space<vmem>>) target_semaphore(%arg9 : memref<!tpu.dma_semaphore, #tpu.memory_space<semaphore_mem>>)
      %mul3A_338 = arith.constant 4 : i32
      %mul3A_339 = arith.muli %add3A_18, %mul3A_338 : i32
      %add3A_340 = arith.constant 3 : i32
      %add3A_341 = arith.addi %mul3A_339, %add3A_340 : i32
      %slice3A_342 = vector.extract_strided_slice %get3A_21 {offsets = [15], sizes = [1], strides = [1]} : vector<16xi32> to vector<1xi32>
      %squeeze3A_343 = vector.extract %slice3A_342[0] : i32 from vector<1xi32>
      %slice3A_344 = vector.extract_strided_slice %get3A_25 {offsets = [15], sizes = [1], strides = [1]} : vector<16xi32> to vector<1xi32>
      %squeeze3A_345 = vector.extract %slice3A_344[0] : i32 from vector<1xi32>
      %dma_start3A_346 = arith.constant 0 : i32
      %dma_start3A_347 = arith.constant 96 : i32
      %dma_start3A_348 = tpu.memref_slice %arg8[%add3A_341, %dma_start3A_346, %dma_start3A_347] : memref<256x1x128xf32, #tpu.memory_space<vmem>> -> memref<1x1x32xf32, #tpu.memory_space<vmem>>
      %dma_start3A_349 = tpu.memref_squeeze %dma_start3A_348 : memref<1x1x32xf32, #tpu.memory_space<vmem>> -> memref<32xf32, #tpu.memory_space<vmem>>
      %dma_start3A_350 = arith.constant 0 : i32
      %dma_start3A_351 = tpu.memref_slice %arg2[%squeeze3A_343, %squeeze3A_345, %dma_start3A_350] : memref<125000x8x32xf32, #tpu.memory_space<hbm>> -> memref<1x1x32xf32, #tpu.memory_space<hbm>>
      %dma_start3A_352 = tpu.memref_squeeze %dma_start3A_351 : memref<1x1x32xf32, #tpu.memory_space<hbm>> -> memref<32xf32, #tpu.memory_space<hbm>>
      %dma_start3A_353 = arith.constant 96 : i32
      %dma_start3A_354 = tpu.memref_slice %arg8[%add3A_341, %dma_start3A_346, %dma_start3A_353] : memref<256x1x128xf32, #tpu.memory_space<vmem>> -> memref<1x1x32xf32, #tpu.memory_space<vmem>>
      %dma_start3A_355 = tpu.memref_squeeze %dma_start3A_354 : memref<1x1x32xf32, #tpu.memory_space<vmem>> -> memref<32xf32, #tpu.memory_space<vmem>>
      %dma_start3A_356 = arith.constant 0 : i32
      %dma_start3A_357 = tpu.memref_slice %arg2[%squeeze3A_343, %squeeze3A_345, %dma_start3A_356] : memref<125000x8x32xf32, #tpu.memory_space<hbm>> -> memref<1x1x32xf32, #tpu.memory_space<hbm>>
      %dma_start3A_358 = tpu.memref_squeeze %dma_start3A_357 : memref<1x1x32xf32, #tpu.memory_space<hbm>> -> memref<32xf32, #tpu.memory_space<hbm>>
      tpu.enqueue_dma source(%dma_start3A_358 : memref<32xf32, #tpu.memory_space<hbm>>) target(%dma_start3A_355 : memref<32xf32, #tpu.memory_space<vmem>>) target_semaphore(%arg9 : memref<!tpu.dma_semaphore, #tpu.memory_space<semaphore_mem>>)
    }
    %scan3A_8 = arith.constant 64 : i32
    %dma_wait3A = arith.constant 0 : i32
    %dma_wait3A_9 = arith.constant 0 : i32
    %dma_wait3A_10 = tpu.memref_slice %arg5[%mul3A_4, %dma_wait3A, %dma_wait3A_9] : memref<8192x1x128xf32, #tpu.memory_space<hbm>> -> memref<256x1x128xf32, #tpu.memory_space<hbm>>
    %dma_wait3A_11 = arith.constant 0 : i32
    %dma_wait3A_12 = arith.constant 0 : i32
    %dma_wait3A_13 = tpu.memref_slice %arg5[%mul3A_4, %dma_wait3A_11, %dma_wait3A_12] : memref<8192x1x128xf32, #tpu.memory_space<hbm>> -> memref<256x1x128xf32, #tpu.memory_space<hbm>>
    tpu.wait_dma2 semaphore(%arg9 : memref<!tpu.dma_semaphore, #tpu.memory_space<semaphore_mem>>) src(%dma_wait3A_13 : memref<256x1x128xf32, #tpu.memory_space<hbm>>) dst(%arg8 : memref<256x1x128xf32, #tpu.memory_space<vmem>>)
    "tpu.region"() ({
      %run_scoped3A = tpu.sem_alloc : memref<!tpu.dma_semaphore, #tpu.memory_space<semaphore_mem>>
      %dma_start3A = arith.constant 0 : i32
      %dma_start3A_14 = arith.constant 0 : i32
      %dma_start3A_15 = tpu.memref_slice %arg5[%mul3A_4, %dma_start3A, %dma_start3A_14] : memref<8192x1x128xf32, #tpu.memory_space<hbm>> -> memref<256x1x128xf32, #tpu.memory_space<hbm>>
      %dma_start3A_16 = arith.constant 0 : i32
      %dma_start3A_17 = arith.constant 0 : i32
      %dma_start3A_18 = tpu.memref_slice %arg5[%mul3A_4, %dma_start3A_16, %dma_start3A_17] : memref<8192x1x128xf32, #tpu.memory_space<hbm>> -> memref<256x1x128xf32, #tpu.memory_space<hbm>>
      tpu.enqueue_dma source(%arg8 : memref<256x1x128xf32, #tpu.memory_space<vmem>>) target(%dma_start3A_18 : memref<256x1x128xf32, #tpu.memory_space<hbm>>) target_semaphore(%run_scoped3A : memref<!tpu.dma_semaphore, #tpu.memory_space<semaphore_mem>>)
      %dma_wait3A_19 = arith.constant 0 : i32
      %dma_wait3A_20 = arith.constant 0 : i32
      %dma_wait3A_21 = tpu.memref_slice %arg5[%mul3A_4, %dma_wait3A_19, %dma_wait3A_20] : memref<8192x1x128xf32, #tpu.memory_space<hbm>> -> memref<256x1x128xf32, #tpu.memory_space<hbm>>
      %dma_wait3A_22 = arith.constant 0 : i32
      %dma_wait3A_23 = arith.constant 0 : i32
      %dma_wait3A_24 = tpu.memref_slice %arg5[%mul3A_4, %dma_wait3A_22, %dma_wait3A_23] : memref<8192x1x128xf32, #tpu.memory_space<hbm>> -> memref<256x1x128xf32, #tpu.memory_space<hbm>>
      tpu.wait_dma2 semaphore(%run_scoped3A : memref<!tpu.dma_semaphore, #tpu.memory_space<semaphore_mem>>) src(%arg8 : memref<256x1x128xf32, #tpu.memory_space<vmem>>) dst(%dma_wait3A_24 : memref<256x1x128xf32, #tpu.memory_space<hbm>>)
      tpu.yield
    }) : () -> ()
    return
  }
}

module attributes {stable_mosaic.version = 14 : i64} {
  func.func @_tc_body(%arg0: memref<8192x128xf32, #tpu.memory_space<vmem>>, %arg1: memref<4096x128xi32, #tpu.memory_space<vmem>>, %arg2: memref<1x128xf32, #tpu.memory_space<vmem>>, %arg3: memref<1x128xf32, #tpu.memory_space<vmem>>, %arg4: memref<5x128xf32, #tpu.memory_space<vmem>>, %arg5: memref<4096x4xf32, #tpu.memory_space<vmem>>, %arg6: memref<1x1xf32, #tpu.memory_space<vmem>>) attributes {dimension_semantics = [], scalar_prefetch = 0 : i64, scratch_operands = 0 : i64, tpu.core_type = #tpu.core_type<tc>} {
    %get3A = arith.constant 0 : index
    %get3A_0 = arith.constant 0 : index
    %get3A_1 = vector.load %arg0[%get3A, %get3A_0] : memref<8192x128xf32, #tpu.memory_space<vmem>>, vector<4096x128xf32>
    %get3A_2 = arith.constant 4096 : index
    %get3A_3 = arith.constant 0 : index
    %get3A_4 = vector.load %arg0[%get3A_2, %get3A_3] : memref<8192x128xf32, #tpu.memory_space<vmem>>, vector<4096x128xf32>
    %iota3A = tpu.iota {dimensions = array<i32: 0>} : vector<128x128xi32>
    %iota3A_5 = tpu.iota {dimensions = array<i32: 1>} : vector<128x128xi32>
    %jit3A = arith.constant 32 : i32
    %eq3A = arith.constant 0 : i32
    %eq3A_6 = arith.cmpi eq, %jit3A, %eq3A : i32
    %jit3A_7 = arith.constant 1 : i32
    %select_n3A = arith.select %eq3A_6, %jit3A_7, %jit3A : i32
    %rem3A = vector.broadcast %select_n3A : i32 to vector<128x128xi32>
    %rem3A_8 = arith.remsi %iota3A, %rem3A : vector<128x128xi32>
    %ne3A = arith.constant 0 : i32
    %ne3A_9 = vector.broadcast %ne3A : i32 to vector<128x128xi32>
    %ne3A_10 = arith.cmpi ne, %rem3A_8, %ne3A_9 : vector<128x128xi32>
    %lt3A = arith.constant 0 : i32
    %lt3A_11 = vector.broadcast %lt3A : i32 to vector<128x128xi32>
    %lt3A_12 = arith.cmpi slt, %rem3A_8, %lt3A_11 : vector<128x128xi32>
    %lt3A_13 = arith.constant 0 : i32
    %lt3A_14 = arith.cmpi slt, %select_n3A, %lt3A_13 : i32
    %ne3A_15 = vector.broadcast %lt3A_14 : i1 to vector<128x128xi1>
    %ne3A_16 = vector.broadcast %ne3A_15 : vector<128x128xi1> to vector<128x128xi1>
    %ne3A_17 = arith.xori %lt3A_12, %ne3A_16 : vector<128x128xi1>
    %and3A = arith.andi %ne3A_17, %ne3A_10 : vector<128x128xi1>
    %add3A = vector.broadcast %select_n3A : i32 to vector<128x128xi32>
    %add3A_18 = arith.addi %rem3A_8, %add3A : vector<128x128xi32>
    %select_n3A_19 = arith.select %and3A, %add3A_18, %rem3A_8 : vector<128x128xi1>, vector<128x128xi32>
    %jit3A_20 = arith.constant 32 : i32
    %eq3A_21 = arith.constant 0 : i32
    %eq3A_22 = arith.cmpi eq, %jit3A_20, %eq3A_21 : i32
    %jit3A_23 = arith.constant 1 : i32
    %select_n3A_24 = arith.select %eq3A_22, %jit3A_23, %jit3A_20 : i32
    %rem3A_25 = vector.broadcast %select_n3A_24 : i32 to vector<128x128xi32>
    %rem3A_26 = arith.remsi %iota3A_5, %rem3A_25 : vector<128x128xi32>
    %ne3A_27 = arith.constant 0 : i32
    %ne3A_28 = vector.broadcast %ne3A_27 : i32 to vector<128x128xi32>
    %ne3A_29 = arith.cmpi ne, %rem3A_26, %ne3A_28 : vector<128x128xi32>
    %lt3A_30 = arith.constant 0 : i32
    %lt3A_31 = vector.broadcast %lt3A_30 : i32 to vector<128x128xi32>
    %lt3A_32 = arith.cmpi slt, %rem3A_26, %lt3A_31 : vector<128x128xi32>
    %lt3A_33 = arith.constant 0 : i32
    %lt3A_34 = arith.cmpi slt, %select_n3A_24, %lt3A_33 : i32
    %ne3A_35 = vector.broadcast %lt3A_34 : i1 to vector<128x128xi1>
    %ne3A_36 = vector.broadcast %ne3A_35 : vector<128x128xi1> to vector<128x128xi1>
    %ne3A_37 = arith.xori %lt3A_32, %ne3A_36 : vector<128x128xi1>
    %and3A_38 = arith.andi %ne3A_37, %ne3A_29 : vector<128x128xi1>
    %add3A_39 = vector.broadcast %select_n3A_24 : i32 to vector<128x128xi32>
    %add3A_40 = arith.addi %rem3A_26, %add3A_39 : vector<128x128xi32>
    %select_n3A_41 = arith.select %and3A_38, %add3A_40, %rem3A_26 : vector<128x128xi1>, vector<128x128xi32>
    %eq3A_42 = arith.cmpi eq, %select_n3A_19, %select_n3A_41 : vector<128x128xi32>
    %jit3A_43 = arith.constant 6.10351563E-5 : f32
    %jit3A_44 = arith.constant 0.000000e+00 : f32
    %broadcast_in_dim3A = vector.broadcast %jit3A_43 : f32 to vector<128x128xf32>
    %broadcast_in_dim3A_45 = vector.broadcast %jit3A_44 : f32 to vector<128x128xf32>
    %select_n3A_46 = arith.select %eq3A_42, %broadcast_in_dim3A, %broadcast_in_dim3A_45 : vector<128x128xi1>, vector<128x128xf32>
    %reduce_sum3A = arith.constant dense<0.000000e+00> : vector<128xf32>
    %reduce_sum3A_47 = vector.multi_reduction <add>, %get3A_1, %reduce_sum3A [0] : vector<4096x128xf32> to vector<128xf32>
    %broadcast_in_dim3A_48 = vector.shape_cast %reduce_sum3A_47 : vector<128xf32> to vector<1x128xf32>
    %dot_general3A = arith.constant dense<0.000000e+00> : vector<1x128xf32>
    %dot_general3A_49 = tpu.matmul %broadcast_in_dim3A_48, %select_n3A_46, %dot_general3A {dimension_numbers = #tpu.dot_dimension_numbers<[1], [0], [0], [1], [0, 0, 1, 1], [], []>, transpose_lhs_hint = false} : vector<1x128xf32>, vector<128x128xf32>, vector<1x128xf32> -> vector<1x128xf32>
    %sub3A = vector.broadcast %dot_general3A_49 : vector<1x128xf32> to vector<4096x128xf32>
    %sub3A_50 = arith.subf %get3A_1, %sub3A : vector<4096x128xf32>
    %mul3A = arith.mulf %sub3A_50, %sub3A_50 : vector<4096x128xf32>
    %reduce_sum3A_51 = arith.constant dense<0.000000e+00> : vector<128xf32>
    %reduce_sum3A_52 = vector.multi_reduction <add>, %mul3A, %reduce_sum3A_51 [0] : vector<4096x128xf32> to vector<128xf32>
    %broadcast_in_dim3A_53 = vector.shape_cast %reduce_sum3A_52 : vector<128xf32> to vector<1x128xf32>
    %dot_general3A_54 = arith.constant dense<0.000000e+00> : vector<1x128xf32>
    %dot_general3A_55 = tpu.matmul %broadcast_in_dim3A_53, %select_n3A_46, %dot_general3A_54 {dimension_numbers = #tpu.dot_dimension_numbers<[1], [0], [0], [1], [0, 0, 1, 1], [], []>, transpose_lhs_hint = false} : vector<1x128xf32>, vector<128x128xf32>, vector<1x128xf32> -> vector<1x128xf32>
    %get3A_56 = arith.constant 0 : index
    %get3A_57 = arith.constant 0 : index
    %get3A_58 = vector.load %arg2[%get3A_56, %get3A_57] : memref<1x128xf32, #tpu.memory_space<vmem>>, vector<1x128xf32>
    %add3A_59 = arith.constant 9.99999974E-6 : f32
    %add3A_60 = vector.broadcast %add3A_59 : f32 to vector<1x128xf32>
    %add3A_61 = arith.addf %dot_general3A_55, %add3A_60 : vector<1x128xf32>
    %rsqrt3A = math.rsqrt %add3A_61 : vector<1x128xf32>
    %mul3A_62 = arith.mulf %get3A_58, %rsqrt3A : vector<1x128xf32>
    %mul3A_63 = vector.broadcast %mul3A_62 : vector<1x128xf32> to vector<4096x128xf32>
    %mul3A_64 = arith.mulf %sub3A_50, %mul3A_63 : vector<4096x128xf32>
    %get3A_65 = arith.constant 0 : index
    %get3A_66 = arith.constant 0 : index
    %get3A_67 = vector.load %arg3[%get3A_65, %get3A_66] : memref<1x128xf32, #tpu.memory_space<vmem>>, vector<1x128xf32>
    %add3A_68 = vector.broadcast %get3A_67 : vector<1x128xf32> to vector<4096x128xf32>
    %add3A_69 = arith.addf %mul3A_64, %add3A_68 : vector<4096x128xf32>
    %reduce_sum3A_70 = arith.constant dense<0.000000e+00> : vector<128xf32>
    %reduce_sum3A_71 = vector.multi_reduction <add>, %get3A_4, %reduce_sum3A_70 [0] : vector<4096x128xf32> to vector<128xf32>
    %broadcast_in_dim3A_72 = vector.shape_cast %reduce_sum3A_71 : vector<128xf32> to vector<1x128xf32>
    %dot_general3A_73 = arith.constant dense<0.000000e+00> : vector<1x128xf32>
    %dot_general3A_74 = tpu.matmul %broadcast_in_dim3A_72, %select_n3A_46, %dot_general3A_73 {dimension_numbers = #tpu.dot_dimension_numbers<[1], [0], [0], [1], [0, 0, 1, 1], [], []>, transpose_lhs_hint = false} : vector<1x128xf32>, vector<128x128xf32>, vector<1x128xf32> -> vector<1x128xf32>
    %sub3A_75 = vector.broadcast %dot_general3A_74 : vector<1x128xf32> to vector<4096x128xf32>
    %sub3A_76 = arith.subf %get3A_4, %sub3A_75 : vector<4096x128xf32>
    %mul3A_77 = arith.mulf %sub3A_76, %sub3A_76 : vector<4096x128xf32>
    %reduce_sum3A_78 = arith.constant dense<0.000000e+00> : vector<128xf32>
    %reduce_sum3A_79 = vector.multi_reduction <add>, %mul3A_77, %reduce_sum3A_78 [0] : vector<4096x128xf32> to vector<128xf32>
    %broadcast_in_dim3A_80 = vector.shape_cast %reduce_sum3A_79 : vector<128xf32> to vector<1x128xf32>
    %dot_general3A_81 = arith.constant dense<0.000000e+00> : vector<1x128xf32>
    %dot_general3A_82 = tpu.matmul %broadcast_in_dim3A_80, %select_n3A_46, %dot_general3A_81 {dimension_numbers = #tpu.dot_dimension_numbers<[1], [0], [0], [1], [0, 0, 1, 1], [], []>, transpose_lhs_hint = false} : vector<1x128xf32>, vector<128x128xf32>, vector<1x128xf32> -> vector<1x128xf32>
    %get3A_83 = arith.constant 0 : index
    %get3A_84 = arith.constant 0 : index
    %get3A_85 = vector.load %arg2[%get3A_83, %get3A_84] : memref<1x128xf32, #tpu.memory_space<vmem>>, vector<1x128xf32>
    %add3A_86 = arith.constant 9.99999974E-6 : f32
    %add3A_87 = vector.broadcast %add3A_86 : f32 to vector<1x128xf32>
    %add3A_88 = arith.addf %dot_general3A_82, %add3A_87 : vector<1x128xf32>
    %rsqrt3A_89 = math.rsqrt %add3A_88 : vector<1x128xf32>
    %mul3A_90 = arith.mulf %get3A_85, %rsqrt3A_89 : vector<1x128xf32>
    %mul3A_91 = vector.broadcast %mul3A_90 : vector<1x128xf32> to vector<4096x128xf32>
    %mul3A_92 = arith.mulf %sub3A_76, %mul3A_91 : vector<4096x128xf32>
    %get3A_93 = arith.constant 0 : index
    %get3A_94 = arith.constant 0 : index
    %get3A_95 = vector.load %arg3[%get3A_93, %get3A_94] : memref<1x128xf32, #tpu.memory_space<vmem>>, vector<1x128xf32>
    %add3A_96 = vector.broadcast %get3A_95 : vector<1x128xf32> to vector<4096x128xf32>
    %add3A_97 = arith.addf %mul3A_92, %add3A_96 : vector<4096x128xf32>
    %get3A_98 = arith.constant 0 : index
    %get3A_99 = arith.constant 0 : index
    %get3A_100 = vector.load %arg1[%get3A_98, %get3A_99] : memref<4096x128xi32, #tpu.memory_space<vmem>>, vector<4096x128xi32>
    %jit3A_101 = arith.constant 5 : i32
    %eq3A_102 = arith.constant 0 : i32
    %eq3A_103 = arith.cmpi eq, %jit3A_101, %eq3A_102 : i32
    %jit3A_104 = arith.constant 1 : i32
    %select_n3A_105 = arith.select %eq3A_103, %jit3A_104, %jit3A_101 : i32
    %rem3A_106 = vector.broadcast %select_n3A_105 : i32 to vector<4096x128xi32>
    %rem3A_107 = arith.remsi %get3A_100, %rem3A_106 : vector<4096x128xi32>
    %ne3A_108 = arith.constant 0 : i32
    %ne3A_109 = vector.broadcast %ne3A_108 : i32 to vector<4096x128xi32>
    %ne3A_110 = arith.cmpi ne, %rem3A_107, %ne3A_109 : vector<4096x128xi32>
    %lt3A_111 = arith.constant 0 : i32
    %lt3A_112 = vector.broadcast %lt3A_111 : i32 to vector<4096x128xi32>
    %lt3A_113 = arith.cmpi slt, %rem3A_107, %lt3A_112 : vector<4096x128xi32>
    %lt3A_114 = arith.constant 0 : i32
    %lt3A_115 = arith.cmpi slt, %select_n3A_105, %lt3A_114 : i32
    %ne3A_116 = vector.broadcast %lt3A_115 : i1 to vector<4096x128xi1>
    %ne3A_117 = vector.broadcast %ne3A_116 : vector<4096x128xi1> to vector<4096x128xi1>
    %ne3A_118 = arith.xori %lt3A_113, %ne3A_117 : vector<4096x128xi1>
    %and3A_119 = arith.andi %ne3A_118, %ne3A_110 : vector<4096x128xi1>
    %add3A_120 = vector.broadcast %select_n3A_105 : i32 to vector<4096x128xi32>
    %add3A_121 = arith.addi %rem3A_107, %add3A_120 : vector<4096x128xi32>
    %select_n3A_122 = arith.select %and3A_119, %add3A_121, %rem3A_107 : vector<4096x128xi1>, vector<4096x128xi32>
    %broadcast_in_dim3A_123 = arith.constant 0.000000e+00 : f32
    %broadcast_in_dim3A_124 = vector.broadcast %broadcast_in_dim3A_123 : f32 to vector<4096x128xf32>
    %eq3A_125 = arith.constant 0 : i32
    %eq3A_126 = vector.broadcast %eq3A_125 : i32 to vector<4096x128xi32>
    %eq3A_127 = arith.cmpi eq, %select_n3A_122, %eq3A_126 : vector<4096x128xi32>
    %get3A_128 = arith.constant 0 : index
    %get3A_129 = arith.constant 0 : index
    %get3A_130 = vector.load %arg4[%get3A_128, %get3A_129] : memref<5x128xf32, #tpu.memory_space<vmem>>, vector<1x128xf32>
    %jit3A_131 = arith.constant 0.000000e+00 : f32
    %broadcast_in_dim3A_132 = vector.shape_cast %get3A_130 : vector<1x128xf32> to vector<1x128xf32>
    %broadcast_in_dim3A_133 = vector.broadcast %broadcast_in_dim3A_132 : vector<1x128xf32> to vector<4096x128xf32>
    %broadcast_in_dim3A_134 = vector.broadcast %jit3A_131 : f32 to vector<4096x128xf32>
    %select_n3A_135 = arith.select %eq3A_127, %broadcast_in_dim3A_133, %broadcast_in_dim3A_134 : vector<4096x128xi1>, vector<4096x128xf32>
    %add3A_136 = arith.addf %broadcast_in_dim3A_124, %select_n3A_135 : vector<4096x128xf32>
    %eq3A_137 = arith.constant 1 : i32
    %eq3A_138 = vector.broadcast %eq3A_137 : i32 to vector<4096x128xi32>
    %eq3A_139 = arith.cmpi eq, %select_n3A_122, %eq3A_138 : vector<4096x128xi32>
    %get3A_140 = arith.constant 1 : index
    %get3A_141 = arith.constant 0 : index
    %get3A_142 = vector.load %arg4[%get3A_140, %get3A_141] : memref<5x128xf32, #tpu.memory_space<vmem>>, vector<1x128xf32>
    %jit3A_143 = arith.constant 0.000000e+00 : f32
    %broadcast_in_dim3A_144 = vector.shape_cast %get3A_142 : vector<1x128xf32> to vector<1x128xf32>
    %broadcast_in_dim3A_145 = vector.broadcast %broadcast_in_dim3A_144 : vector<1x128xf32> to vector<4096x128xf32>
    %broadcast_in_dim3A_146 = vector.broadcast %jit3A_143 : f32 to vector<4096x128xf32>
    %select_n3A_147 = arith.select %eq3A_139, %broadcast_in_dim3A_145, %broadcast_in_dim3A_146 : vector<4096x128xi1>, vector<4096x128xf32>
    %add3A_148 = arith.addf %add3A_136, %select_n3A_147 : vector<4096x128xf32>
    %eq3A_149 = arith.constant 2 : i32
    %eq3A_150 = vector.broadcast %eq3A_149 : i32 to vector<4096x128xi32>
    %eq3A_151 = arith.cmpi eq, %select_n3A_122, %eq3A_150 : vector<4096x128xi32>
    %get3A_152 = arith.constant 2 : index
    %get3A_153 = arith.constant 0 : index
    %get3A_154 = vector.load %arg4[%get3A_152, %get3A_153] : memref<5x128xf32, #tpu.memory_space<vmem>>, vector<1x128xf32>
    %jit3A_155 = arith.constant 0.000000e+00 : f32
    %broadcast_in_dim3A_156 = vector.shape_cast %get3A_154 : vector<1x128xf32> to vector<1x128xf32>
    %broadcast_in_dim3A_157 = vector.broadcast %broadcast_in_dim3A_156 : vector<1x128xf32> to vector<4096x128xf32>
    %broadcast_in_dim3A_158 = vector.broadcast %jit3A_155 : f32 to vector<4096x128xf32>
    %select_n3A_159 = arith.select %eq3A_151, %broadcast_in_dim3A_157, %broadcast_in_dim3A_158 : vector<4096x128xi1>, vector<4096x128xf32>
    %add3A_160 = arith.addf %add3A_148, %select_n3A_159 : vector<4096x128xf32>
    %eq3A_161 = arith.constant 3 : i32
    %eq3A_162 = vector.broadcast %eq3A_161 : i32 to vector<4096x128xi32>
    %eq3A_163 = arith.cmpi eq, %select_n3A_122, %eq3A_162 : vector<4096x128xi32>
    %get3A_164 = arith.constant 3 : index
    %get3A_165 = arith.constant 0 : index
    %get3A_166 = vector.load %arg4[%get3A_164, %get3A_165] : memref<5x128xf32, #tpu.memory_space<vmem>>, vector<1x128xf32>
    %jit3A_167 = arith.constant 0.000000e+00 : f32
    %broadcast_in_dim3A_168 = vector.shape_cast %get3A_166 : vector<1x128xf32> to vector<1x128xf32>
    %broadcast_in_dim3A_169 = vector.broadcast %broadcast_in_dim3A_168 : vector<1x128xf32> to vector<4096x128xf32>
    %broadcast_in_dim3A_170 = vector.broadcast %jit3A_167 : f32 to vector<4096x128xf32>
    %select_n3A_171 = arith.select %eq3A_163, %broadcast_in_dim3A_169, %broadcast_in_dim3A_170 : vector<4096x128xi1>, vector<4096x128xf32>
    %add3A_172 = arith.addf %add3A_160, %select_n3A_171 : vector<4096x128xf32>
    %eq3A_173 = arith.constant 4 : i32
    %eq3A_174 = vector.broadcast %eq3A_173 : i32 to vector<4096x128xi32>
    %eq3A_175 = arith.cmpi eq, %select_n3A_122, %eq3A_174 : vector<4096x128xi32>
    %get3A_176 = arith.constant 4 : index
    %get3A_177 = arith.constant 0 : index
    %get3A_178 = vector.load %arg4[%get3A_176, %get3A_177] : memref<5x128xf32, #tpu.memory_space<vmem>>, vector<1x128xf32>
    %jit3A_179 = arith.constant 0.000000e+00 : f32
    %broadcast_in_dim3A_180 = vector.shape_cast %get3A_178 : vector<1x128xf32> to vector<1x128xf32>
    %broadcast_in_dim3A_181 = vector.broadcast %broadcast_in_dim3A_180 : vector<1x128xf32> to vector<4096x128xf32>
    %broadcast_in_dim3A_182 = vector.broadcast %jit3A_179 : f32 to vector<4096x128xf32>
    %select_n3A_183 = arith.select %eq3A_175, %broadcast_in_dim3A_181, %broadcast_in_dim3A_182 : vector<4096x128xi1>, vector<4096x128xf32>
    %add3A_184 = arith.addf %add3A_172, %select_n3A_183 : vector<4096x128xf32>
    %mul3A_185 = arith.mulf %add3A_69, %add3A_97 : vector<4096x128xf32>
    %mul3A_186 = arith.mulf %mul3A_185, %add3A_184 : vector<4096x128xf32>
    %iota3A_187 = tpu.iota {dimensions = array<i32: 0>} : vector<128x4xi32>
    %iota3A_188 = tpu.iota {dimensions = array<i32: 1>} : vector<128x4xi32>
    %jit3A_189 = arith.constant 32 : i32
    %div3A = vector.broadcast %jit3A_189 : i32 to vector<128x4xi32>
    %div3A_190 = arith.divsi %iota3A_187, %div3A : vector<128x4xi32>
    %sign3A = arith.constant 0 : i32
    %sign3A_191 = vector.broadcast %sign3A : i32 to vector<128x4xi32>
    %sign3A_192 = arith.cmpi sgt, %iota3A_187, %sign3A_191 : vector<128x4xi32>
    %sign3A_193 = arith.extui %sign3A_192 : vector<128x4xi1> to vector<128x4xi32>
    %sign3A_194 = arith.constant 0 : i32
    %sign3A_195 = vector.broadcast %sign3A_194 : i32 to vector<128x4xi32>
    %sign3A_196 = arith.cmpi slt, %iota3A_187, %sign3A_195 : vector<128x4xi32>
    %sign3A_197 = arith.extui %sign3A_196 : vector<128x4xi1> to vector<128x4xi32>
    %sign3A_198 = arith.subi %sign3A_193, %sign3A_197 : vector<128x4xi32>
    %sign3A_199 = arith.constant 0 : i32
    %sign3A_200 = arith.cmpi sgt, %jit3A_189, %sign3A_199 : i32
    %sign3A_201 = arith.extui %sign3A_200 : i1 to i32
    %sign3A_202 = arith.constant 0 : i32
    %sign3A_203 = arith.cmpi slt, %jit3A_189, %sign3A_202 : i32
    %sign3A_204 = arith.extui %sign3A_203 : i1 to i32
    %sign3A_205 = arith.subi %sign3A_201, %sign3A_204 : i32
    %ne3A_206 = vector.broadcast %sign3A_205 : i32 to vector<128x4xi32>
    %ne3A_207 = arith.cmpi ne, %sign3A_198, %ne3A_206 : vector<128x4xi32>
    %rem3A_208 = vector.broadcast %jit3A_189 : i32 to vector<128x4xi32>
    %rem3A_209 = arith.remsi %iota3A_187, %rem3A_208 : vector<128x4xi32>
    %ne3A_210 = arith.constant 0 : i32
    %ne3A_211 = vector.broadcast %ne3A_210 : i32 to vector<128x4xi32>
    %ne3A_212 = arith.cmpi ne, %rem3A_209, %ne3A_211 : vector<128x4xi32>
    %and3A_213 = arith.andi %ne3A_207, %ne3A_212 : vector<128x4xi1>
    %sub3A_214 = arith.constant 1 : i32
    %sub3A_215 = vector.broadcast %sub3A_214 : i32 to vector<128x4xi32>
    %sub3A_216 = arith.subi %div3A_190, %sub3A_215 : vector<128x4xi32>
    %select_n3A_217 = arith.select %and3A_213, %sub3A_216, %div3A_190 : vector<128x4xi1>, vector<128x4xi32>
    %eq3A_218 = arith.cmpi eq, %select_n3A_217, %iota3A_188 : vector<128x4xi32>
    %jit3A_219 = arith.constant 1.000000e+00 : f32
    %jit3A_220 = arith.constant 0.000000e+00 : f32
    %broadcast_in_dim3A_221 = vector.broadcast %jit3A_219 : f32 to vector<128x4xf32>
    %broadcast_in_dim3A_222 = vector.broadcast %jit3A_220 : f32 to vector<128x4xf32>
    %select_n3A_223 = arith.select %eq3A_218, %broadcast_in_dim3A_221, %broadcast_in_dim3A_222 : vector<128x4xi1>, vector<128x4xf32>
    %dot_general3A_224 = arith.constant dense<0.000000e+00> : vector<4096x4xf32>
    %dot_general3A_225 = tpu.matmul %mul3A_186, %select_n3A_223, %dot_general3A_224 {dimension_numbers = #tpu.dot_dimension_numbers<[1], [0], [0], [1], [0, 0, 1, 1], [], []>, transpose_lhs_hint = false} : vector<4096x128xf32>, vector<128x4xf32>, vector<4096x4xf32> -> vector<4096x4xf32>
    %logistic3A = arith.negf %dot_general3A_225 : vector<4096x4xf32>
    %logistic3A_226 = math.exp %logistic3A : vector<4096x4xf32>
    %logistic3A_227 = arith.constant 1.000000e+00 : f32
    %logistic3A_228 = vector.broadcast %logistic3A_227 : f32 to vector<4096x4xf32>
    %logistic3A_229 = arith.addf %logistic3A_228, %logistic3A_226 : vector<4096x4xf32>
    %logistic3A_230 = arith.divf %logistic3A_228, %logistic3A_229 : vector<4096x4xf32>
    %swap3A = arith.constant 0 : index
    %swap3A_231 = arith.constant 0 : index
    %swap3A_232 = vector.load %arg5[%swap3A, %swap3A_231] : memref<4096x4xf32, #tpu.memory_space<vmem>>, vector<4096x4xf32>
    tpu.vector_store %arg5[%swap3A, %swap3A_231], %logistic3A_230 {strides = array<i32>} : memref<4096x4xf32, #tpu.memory_space<vmem>>, vector<4096x4xf32>,
    %add3A_233 = arith.constant 1.000000e-10 : f32
    %add3A_234 = vector.broadcast %add3A_233 : f32 to vector<4096x4xf32>
    %add3A_235 = arith.addf %logistic3A_230, %add3A_234 : vector<4096x4xf32>
    %log3A = math.log %add3A_235 : vector<4096x4xf32>
    %reduce_sum3A_236 = vector.shape_cast %log3A : vector<4096x4xf32> to vector<1x4096x4xf32>
    %reduce_sum3A_237 = arith.constant dense<0.000000e+00> : vector<1xf32>
    %reduce_sum3A_238 = vector.multi_reduction <add>, %reduce_sum3A_236, %reduce_sum3A_237 [1, 2] : vector<1x4096x4xf32> to vector<1xf32>
    %reduce_sum3A_239 = vector.shape_cast %reduce_sum3A_238 : vector<1xf32> to vector<1x1x1xf32>
    %reduce_sum3A_240 = vector.extract %reduce_sum3A_239[0, 0, 0] : f32 from vector<1x1x1xf32>
    %neg3A = arith.constant 0.000000e+00 : f32
    %neg3A_241 = arith.subf %neg3A, %reduce_sum3A_240 : f32
    %div3A_242 = arith.constant 1.638400e+04 : f32
    %div3A_243 = arith.divf %neg3A_241, %div3A_242 : f32
    %broadcast_in_dim3A_244 = vector.broadcast %div3A_243 : f32 to vector<1x1xf32>
    %swap3A_245 = arith.constant 0 : index
    %swap3A_246 = arith.constant 0 : index
    %swap3A_247 = vector.load %arg6[%swap3A_245, %swap3A_246] : memref<1x1xf32, #tpu.memory_space<vmem>>, vector<1x1xf32>
    tpu.vector_store %arg6[%swap3A_245, %swap3A_246], %broadcast_in_dim3A_244 {strides = array<i32>} : memref<1x1xf32, #tpu.memory_space<vmem>>, vector<1x1xf32>,
    return
  }
}

</mosaic_0001>

<sc_bundles>
// kernel: kernel.4.cloned.1.call-start
scs
__scs_entry_jumppad:
0x0: {  	(pc) =	sbr.rel $0x88, $3  }
0x1: {  	(tag) =	ssettag $0x0;
	lr =	simm.s32 $0x1  }
0x2: {  	[smem:$0x3F9C] =	sst lr;
	_ =	strace $0xD0000000  }
0x3: {  	_ = 	snop  }
0x4: {  	_ = 	snop  }
0x5: {  	_ = 	snop  }
0x6: {  	_ = 	snop  }
0x7: {  	_ = 	snop  }
__scs_overlays_trampoline_lowered:
0x8: {  	[smem:$0x3FAB] =	sst s0  }
0x9: {  	[smem:$0x3FAC] =	sst s1  }
0xa: {  	[smem:$0x3FAD] =	sst s2  }
0xb: {  	[smem:$0x3FAE] =	sst s3  }
0xc: {  	[smem:$0x3FAF] =	sst s4  }
0xd: {  	[smem:$0x3FB0] =	sst s5  }
0xe: {  	[smem:$0x3FB1] =	sst s6  }
0xf: {  	[smem:$0x3FB2] =	sst s7  }
0x10: {  	[smem:$0x3FB3] =	sst s8  }
0x11: {  	[smem:$0x3FB4] =	sst s9;
	s0 =	simm.s32 @!p0 $0x0  }
0x12: {  	s1 =	sld [smem:$0x3F9A];
	s0 =	simm.s32 @p0 $0x1  }
0x13: {  	[smem:$0x3FB5] =	sst s0;
	s0 =	simm.s32 @!p1 $0x0  }
0x14: {  	s2 =	sld [smem:$0x3F99];
	s0 =	simm.s32 @p1 $0x1  }
0x15: {  	[smem:$0x3FB6] =	sst s0;
	s0 =	simm.s32 @!p2 $0x0  }
0x16: {  	s3 =	sld [smem:$0x3FDB];
	s0 =	simm.s32 @p2 $0x1  }
0x17: {  	s4 =	simm.s32 $0x1BF5;
	[smem:$0x3FB8] =	sst s0  }
0x18: {  	s0 =	sld [smem:$0x3F9B];
	_ =	swait.ge [sflag:s4], $0x0  }
0x19: {  	s7 =	sld [smem:$0x3F9C]  }
0x1a: {  	s8 =	sadd.s32 $0xFFFFE003, lr  }
0x1b: {  	s9 =	sadd.s32 $0xFFFFFEF7, lr;
	s5 =	simm.s32 $0xFFFFFFFF;
	p2 =	slt.u32 s8, $0xFFFFF086  }
0x1c: {  	p1 =	slt.u32 s9, $0xF7A;
	s5 =	simm.s32 @!p2 $0x0  }
0x1d: {  	s5 =	simm.s32 @p1 $0x1;
	p0 =	seq.s32 s7, s2  }
0x1e: {  	s7 =	smul.u32 @!p0 $0xF7A, s2;
	p2 =	seq.s32 @!p0 s5, $0x0  }
0x1f: {  	s9 =	smul.u32 $0xF7A, s1;
	s8 =	simm.s32 @!p0 $0x1BF5;
	p2 =	por !p2, p0  }
0x20: {  	[sflag:s8] =	ssyncset.s32 @!p0 $0xFFFFF086;
	s6 =	sadd.s32 @!p0 s3, s7;
	s7 =	simm.s32 @!p0 $0x108  }
0x21: {  	s3 =	sadd.s32 s3, s9;
	s6 =	sadd.s32 @!p0 $0x88, s6;
	s7 =	simm.s32 @p2 $0x1082  }
0x22: {  	[simem:s7], [sflag:s8] =	dma.local @!p0 [hbm:s6], $0xF7A  }
0x23: {  	s9 =	sor.u32 $0xD0000000, s2;
	s6 =	simm.s32 $0x108;
	_ =	swait.ge @!p0 [sflag:s8], $0x0  }
0x24: {  	s3 =	sadd.s32 $0x88, s3;
	s6 =	simm.s32 @!p1 $0x1082;
	[sflag:s4] =	ssyncset.s32 $0xFFFFF086  }
0x25: {  	[simem:s6], [sflag:s4] =	dma.local [hbm:s3], $0xF7A  }
0x26: {  	[smem:$0x3F9C] =	sst s1;
	(tag) =	ssettag s2;
	_ =	strace s9  }
0x27: {  	s1 =	sld [smem:$0x3FAC]  }
0x28: {  	s2 =	sld [smem:$0x3FAD]  }
0x29: {  	s4 =	sld [smem:$0x3FAF]  }
0x2a: {  	p0 =	seq.s32 s5, $0x0;
	s5 =	sld [smem:$0x3FB0]  }
0x2b: {  	s6 =	sld [smem:$0x3FB1]  }
0x2c: {  	s7 =	sld [smem:$0x3FB2]  }
0x2d: {  	s3 =	simm.s32 $0x108;
	s8 =	sld [smem:$0x3FB3]  }
0x2e: {  	s3 =	simm.s32 @!p0 $0x1082;
	s9 =	sld [smem:$0x3FB4]  }
0x2f: {  	lr =	sadd.s32 s0, s3;
	s0 =	sld [smem:$0x3FAB]  }
0x30: {  	s3 =	sld [smem:$0x3FAE]  }
0x31: {  	[smem:$0x3FB7] =	sst s10  }
0x32: {  	s10 =	sld [smem:$0x3FB5];
	_ =	sdelay $0x3  }
0x33: {  	p0 =	seq.s32 s10, $0x1;
	s10 =	sld [smem:$0x3FB7];
	_ =	sdelay $0x3  }
0x34: {  	[smem:$0x3FB7] =	sst s10  }
0x35: {  	s10 =	sld [smem:$0x3FB6];
	_ =	sdelay $0x3  }
0x36: {  	p1 =	seq.s32 s10, $0x1;
	s10 =	sld [smem:$0x3FB7];
	_ =	sdelay $0x3  }
0x37: {  	[smem:$0x3FB7] =	sst s10  }
0x38: {  	s10 =	sld [smem:$0x3FB8]  }
0x39: {  	_ = 	snop;
	(pc) =	sbr.ind lr, $3  }
0x3a: {  	_ = 	snop  }
0x3b: {  	_ = 	snop  }
0x3c: {  	p2 =	seq.s32 s10, $0x1;
	s10 =	sld [smem:$0x3FB7]  }
0x3d: {  	_ =	shalt  }
0x3e: {  	_ =	shalt  }
0x3f: {  	_ =	shalt  }
0x40: {  	_ =	shalt  }
0x41: {  	_ =	shalt  }
0x42: {  	_ =	shalt  }
0x43: {  	_ =	shalt  }
0x44: {  	_ =	shalt  }
0x45: {  	_ =	shalt  }
0x46: {  	_ =	shalt  }
0x47: {  	_ =	shalt  }
0x48: {  	_ =	shalt  }
0x49: {  	_ =	shalt  }
0x4a: {  	_ =	shalt  }
0x4b: {  	_ =	shalt  }
0x4c: {  	_ =	shalt  }
0x4d: {  	_ =	shalt  }
0x4e: {  	_ =	shalt  }
0x4f: {  	_ =	shalt  }
0x50: {  	_ =	shalt  }
0x51: {  	_ =	shalt  }
0x52: {  	_ =	shalt  }
0x53: {  	_ =	shalt  }
0x54: {  	_ =	shalt  }
0x55: {  	_ =	shalt  }
0x56: {  	_ =	shalt  }
0x57: {  	_ =	shalt  }
0x58: {  	_ =	shalt  }
0x59: {  	_ =	shalt  }
0x5a: {  	_ =	shalt  }
0x5b: {  	_ =	shalt  }
0x5c: {  	_ =	shalt  }
0x5d: {  	_ =	shalt  }
0x5e: {  	_ =	shalt  }
0x5f: {  	_ =	shalt  }
0x60: {  	_ =	shalt  }
0x61: {  	_ =	shalt  }
0x62: {  	_ =	shalt  }
0x63: {  	_ =	shalt  }
0x64: {  	_ =	shalt  }
0x65: {  	_ =	shalt  }
0x66: {  	_ =	shalt  }
0x67: {  	_ =	shalt  }
0x68: {  	_ =	shalt  }
0x69: {  	_ =	shalt  }
0x6a: {  	_ =	shalt  }
0x6b: {  	_ =	shalt  }
0x6c: {  	_ =	shalt  }
0x6d: {  	_ =	shalt  }
0x6e: {  	_ =	shalt  }
0x6f: {  	_ =	shalt  }
0x70: {  	_ =	shalt  }
0x71: {  	_ =	shalt  }
0x72: {  	_ =	shalt  }
0x73: {  	_ =	shalt  }
0x74: {  	_ =	shalt  }
0x75: {  	_ =	shalt  }
0x76: {  	_ =	shalt  }
0x77: {  	_ =	shalt  }
0x78: {  	_ =	shalt  }
0x79: {  	_ =	shalt  }
0x7a: {  	_ =	shalt  }
0x7b: {  	_ =	shalt  }
0x7c: {  	_ =	shalt  }
0x7d: {  	_ =	shalt  }
0x7e: {  	_ =	shalt  }
0x7f: {  	_ =	shalt  }
0x80: {  	_ =	shalt  }
0x81: {  	_ =	shalt  }
0x82: {  	_ =	shalt  }
0x83: {  	_ =	shalt  }
0x84: {  	_ =	shalt  }
0x85: {  	_ =	shalt  }
0x86: {  	_ =	shalt  }
0x87: {  	_ =	shalt  }
.Lfunc_end0:
.L_simem_size_0:
called_computation_lowered:
.L_overlay_start_0:
0x88: {  	s2 =	sld [smem:$0x3FD9]  }
0x89: {  	s3 =	sld [smem:$0x3FFE];
	_ =	sdelay $0x1  }
0x8a: {  	s1 =	srdreg.scid  }
0x8b: {  	s0 =	sand.u32 $0x1, s1  }
0x8c: {  	s16 =	sshll.u32 s0, $0xA;
	s2 =	sadd.s32 s3, s2  }
0x8d: {  	s2 =	sadd.s32 s2, s16  }
0x8e: {  	[smem:$0x3FC3] =	sst s2  }
0x8f: {  	_ = 	snop  }
0x90: {  	(tm) =	ssettm $0x1  }
0x91: {  	s17 =	sld [smem:$0x3FFB];
	_ =	sdelay $0x3  }
0x92: {  	_ =	strace s17  }
0x93: {  	s2 =	sld [smem:$0x3FFC];
	_ =	sdelay $0x3  }
0x94: {  	_ =	strace s2  }
0x95: {  	s2 =	sld [smem:$0x3FFD];
	_ =	sdelay $0x3  }
0x96: {  	_ =	strace s2  }
0x97: {  	_ =	strace $0x8FFFFFFF  }
0x98: {  	s18 =	sld [smem:$0x3FDB];
	_ =	sdelay $0x1  }
0x99: {  	s19 =	simm.s32 $_scs_section_size  }
0x9a: {  	s4 =	simm.s32 $_size__tile_overlayer_lowered;
	s5 =	simm.s32 $_tile_overlayer_lowered  }
0x9b: {  	s22 =	simm.s32 $0x1BFF;
	s21 =	sshll.u32 s5, $0x1;
	s2 =	sadd.s32 s19, s18  }
0x9c: {  	s6 =	simm.s32 $0x0;
	s20 =	sshll.u32 s4, $0x1;
	s4 =	sadd.s32 s21, s2  }
0x9d: {  	[timem:s6], [sflag:s22] =	dma.local [hbm:s4], s20  }
0x9e: {  	_ =	swait.ge [sflag:s22], s20  }
0x9f: {  	s3 =	ssub.s32 $0x0, s20;
	[sflag:s22] =	ssyncset.done $0x0  }
0xa0: {  	[sflag:s22] =	ssyncadd.s32 s3;
	_ =	sdelay $0x1  }
0xa1: {  	s23 =	simm.s32 $0x1B8B  }
0xa2: {  	_ =	swait.ge [sflag:s23], $0x1  }
0xa3: {  	[sflag:s23] =	ssyncset.done $0x0  }
0xa4: {  	s25 =	simm.s32 $0x1B8E;
	s24 =	sld [smem:$0x3FFE];
	[sflag:s23] =	ssyncadd.s32 $0xFFFFFFFF  }
0xa5: {  	s26 =	simm.s32 $execute0_lowered;
	[smem:$0x3FD2] =	sst s25  }
0xa6: {  	s4 =	sshll.u32 s26, $0x1;
	_ =	strace $0x80000046;
	[dreg:$0x1] =	wrdreg $0xFFFFFFFF  }
0xa7: {  	s28 =	simm.s32 $_size_execute0_lowered;
	s2 =	sadd.s32 s2, s4;
	[dreg:$0x0] =	wrdreg $0x0  }
0xa8: {  	s4 =	sshll.u32 s28, $0x1;
	[dreg:$0x2] =	wrdreg s2  }
0xa9: {  	[dreg:$0x3] =	wrdreg s4  }
0xaa: {  	[dreg:$0x4] =	wrdreg $0xC0  }
0xab: {  	_ =	task [dreg:s6], $0x5FFFF  }
0xac: {  	[dreg:$0x1] =	wrdreg $0xFFFFFFFF  }
0xad: {  	[dreg:$0x0] =	wrdreg $0x60  }
0xae: {  	[dreg:$0x2] =	wrdreg s24  }
0xaf: {  	[dreg:$0x3] =	wrdreg $0x9  }
0xb0: {  	_ =	task.clear_ibuf [dreg:s6], $0x4FFFF;
	_ =	strace $0x90000046  }
0xb1: {  	s29 =	simm.s32 $0x9;
	_ =	strace $0x80000048  }
0xb2: {  	_ =	swait.ge [sflag:s29], $0x1  }
0xb3: {  	[sflag:s29] =	ssyncadd.s32 $0xFFFFFFFF  }
0xb4: {  	_ =	strace $0x90000048  }
0xb5: {  	_ =	sfence  }
0xb6: {  	s30 =	sld [smem:$0x0];
	_ =	sdelay $0x2  }
0xb7: {  	s31 =	sshll.u32 s1, $0xD;
	s1 =	sshrl.u32 s1, $0x2  }
0xb8: {  	s3 =	sand.u32 $0x4000, s31;
	s1 =	sadd.s32 s1, s30  }
0xb9: {  	s0 =	sor.u32 s3, s0;
	s1 =	sshll.u32 s1, $0x11  }
0xba: {  	s0 =	sor.u32 s1, s0  }
0xbb: {  	s0 =	sadd.s32 $0x8F2B, s0  }
0xbc: {  	[sflag:s0] =	ssyncadd.remote.s32 $0x1  }
0xbd: {  	_ =	sfence.sel $0xFFFF  }
0xbe: {  	[dreg:$0x0] =	wrdreg $0xFFFFFFFF;
	(pc) =	sbr.abs _section_cstart, $3  }
0xbf: {  	[dreg:$0x1] =	wrdreg $0xFFFFFFFF  }
0xc0: {  	_ =	task.clear_ibuf [dreg:s6], $0x2FFFF;
	_ =	strace $0x9FFFFFFF  }
0xc1: {  	(tm) =	ssettm $0x7FFFFFFF  }
tec
execute0_lowered:
.L_overlay_start_1:
0x0: {  	(tag) =	ssettag $0x1  }
0x1: {  	s4 =	rddreg [dreg:$0x0]  }
0x2: {  	s0 =	rddreg [dreg:$0x1];
	s2 =	simm.s32 $0x0;
	s3 =	srdreg.scid  }
0x3: {  	s1 =	stileid.u32;
	s9 =	simm.s32 $0x80;
	s10 =	simm.s32 $0x400  }
0x4: {  	s11 =	simm.s32 $0x1;
	s12 =	simm.s32 $0x800;
	s13 =	simm.s32 $0x0  }
0x5: {  	[smem:$0x7FF] =	sst s2;
	s5 =	sand.u32 $0x1, s3;
	s31 =	sshll.u32 s1, $0x1  }
0x6: {  	s3 =	sadd.s32 $0x2400, s4;
	_ =	strace $0x80000047;
	s6 =	sor.u32 s5, s31  }
0x7: {  	s5 =	ssub.s32 $0x2, s5;
	s7 =	sshll.u32 s6, $0x7;
	s6 =	sshll.u32 s6, $0xC  }
0x8: {  	s8 =	sshrl.u32 s5, $0x1;
	s7 =	sadd.s32 s7, s4;
	s6 =	sadd.s32 s6, s4  }
0x9: {  	s8 =	ssub.s32 s5, s8;
	s4 =	sadd.s32 $0xF44800, s7;
	s5 =	sadd.s32 $0x1400, s7  }
0xa: {  	s6 =	sadd.s32 $0xF45800, s6;
	s7 =	smax.u32 s8, $0x1;
	s8 =	simm.s32 $0x2  }
.LBB2_1:
0xb: {  	[tilespmem:s2], [sflag:$0x2] =	stream.linear.gather [hbm4b:s4+s2], $0x400, $0x38;
	[tilespmem:$0x8800] =	vst v63  }
0xc: {  	_ =	swait.ge [sflag:s8], $0x400  }
0xd: {  	[sflag:s8] =	ssyncset.done $0x0  }
0xe: {  	[sflag:s8] =	ssyncadd.s32 $0xFFFFFC00  }
0xf: {  	[tilespmem:s10], [sflag:$0x2] =	stream.linear.gather [hbm4b:s5+s2], $0x400, $0x38;
	[tilespmem:$0x8800] =	vst v63  }
0x10: {  	_ =	swait.ge [sflag:s8], $0x400  }
0x11: {  	s14 =	simm.s32 $0x400;
	[sflag:s8] =	ssyncset.done $0x0  }
0x12: {  	s15 =	simm.s32 $0x0;
	s16 =	simm.s32 $0x0;
	[sflag:s8] =	ssyncadd.s32 $0xFFFFFC00  }
.LBB2_2:
0x13: {  	v0 =	vld [tilespmem:s14+$0x0]  }
0x14: {  	v1 =	vld [tilespmem:s15+$0x0];
	_ =	sdelay $0x3  }
0x15: {  	v0 =	vshll.u32 v0, $0x7  }
0x16: {  	v1 =	vshll.u32 v1, $0xA;
	(v2sf) =	vpush v0, $0x0  }
0x17: {  	(v2sf) =	vpush v1, $0x0;
	_ =	sdelay $0x2  }
0x18: {  	(v2sf) =	vpush v0, $0x1  }
0x19: {  	(v2sf) =	vpush v1, $0x1;
	_ =	sdelay $0x9  }
0x1a: {  	s17 =	spop (v2sf)  }
0x1b: {  	(v2sf) =	vpush v0, $0x2;
	s18 =	sand.u32 $0xFFFFFC00, s17;
	s19 =	spop (v2sf)  }
0x1c: {  	s17 =	sand.u32 $0x380, s17;
	(v2sf) =	vpush v1, $0x2;
	s18 =	sadd.s32 s19, s18  }
0x1d: {  	s18 =	sor.u32 s17, s18  }
0x1e: {  	s23 =	spop (v2sf);
	s17 =	sshra.s32 s16, $0x2;
	s18 =	sshrl.u32 s18, $0x3  }
0x1f: {  	(v2sf) =	vpush v0, $0x3;
	s20 =	spop (v2sf);
	s22 =	sadd.s32 $0x800, s17;
	s18 =	sadd.s32 s3, s18  }
0x20: {  	(v2sf) =	vpush v1, $0x3;
	[tilespmem:s22], [sflag:$0x1] =	stream.strided.gather [hbm4b:s18+s9], $0x0, s10, s9, $0x38;
	[tilespmem:$0x8800] =	vst v63  }
0x21: {  	s24 =	sand.u32 $0xFFFFFC00, s23  }
0x22: {  	[tilespmem:s22], [sflag:$0x1] =	stream.linear.gather [hbm4b:s18+s2], $0x20, $0x38;
	[tilespmem:$0x8800] =	vst v63  }
0x23: {  	s19 =	sadd.s32 s20, s24;
	s18 =	sand.u32 $0x380, s23  }
0x24: {  	s18 =	sor.u32 s18, s19  }
0x25: {  	s18 =	sshrl.u32 s18, $0x3  }
0x26: {  	s25 =	sadd.s32 $0x820, s17;
	s18 =	sadd.s32 s3, s18  }
0x27: {  	[tilespmem:s25], [sflag:$0x1] =	stream.strided.gather [hbm4b:s18+s9], $0x0, s10, s9, $0x38;
	[tilespmem:$0x8800] =	vst v63  }
0x28: {  	_ = 	snop  }
0x29: {  	[tilespmem:s25], [sflag:$0x1] =	stream.linear.gather [hbm4b:s18+s2], $0x20, $0x38;
	[tilespmem:$0x8800] =	vst v63  }
0x2a: {  	s26 =	spop (v2sf)  }
0x2b: {  	(v2sf) =	vpush v0, $0x4;
	s28 =	sand.u32 $0xFFFFFC00, s26;
	s29 =	spop (v2sf)  }
0x2c: {  	s18 =	sand.u32 $0x380, s26;
	(v2sf) =	vpush v1, $0x4;
	s19 =	sadd.s32 s29, s28  }
0x2d: {  	s18 =	sor.u32 s18, s19  }
0x2e: {  	s31 =	spop (v2sf);
	s18 =	sshrl.u32 s18, $0x3  }
0x2f: {  	s30 =	sadd.s32 $0x840, s17;
	(v2sf) =	vpush v0, $0x5;
	s22 =	spop (v2sf);
	s18 =	sadd.s32 s3, s18  }
0x30: {  	(v2sf) =	vpush v1, $0x5;
	[tilespmem:s30], [sflag:$0x1] =	stream.strided.gather [hbm4b:s18+s9], $0x0, s10, s9, $0x38;
	[tilespmem:$0x8800] =	vst v63  }
0x31: {  	s21 =	sand.u32 $0xFFFFFC00, s31  }
0x32: {  	[tilespmem:s30], [sflag:$0x1] =	stream.linear.gather [hbm4b:s18+s2], $0x20, $0x38;
	[tilespmem:$0x8800] =	vst v63  }
0x33: {  	s19 =	sadd.s32 s22, s21;
	s18 =	sand.u32 $0x380, s31  }
0x34: {  	s18 =	sor.u32 s18, s19  }
0x35: {  	s18 =	sshrl.u32 s18, $0x3  }
0x36: {  	s23 =	sadd.s32 $0x860, s17;
	s18 =	sadd.s32 s3, s18  }
0x37: {  	[tilespmem:s23], [sflag:$0x1] =	stream.strided.gather [hbm4b:s18+s9], $0x0, s10, s9, $0x38;
	[tilespmem:$0x8800] =	vst v63  }
0x38: {  	_ = 	snop  }
0x39: {  	[tilespmem:s23], [sflag:$0x1] =	stream.linear.gather [hbm4b:s18+s2], $0x20, $0x38;
	[tilespmem:$0x8800] =	vst v63  }
0x3a: {  	s24 =	spop (v2sf)  }
0x3b: {  	(v2sf) =	vpush v0, $0x6;
	s25 =	sand.u32 $0xFFFFFC00, s24;
	s26 =	spop (v2sf)  }
0x3c: {  	s18 =	sand.u32 $0x380, s24;
	(v2sf) =	vpush v1, $0x6;
	s19 =	sadd.s32 s26, s25  }
0x3d: {  	s18 =	sor.u32 s18, s19  }
0x3e: {  	s29 =	spop (v2sf);
	s18 =	sshrl.u32 s18, $0x3  }
0x3f: {  	s28 =	sadd.s32 $0x880, s17;
	(v2sf) =	vpush v0, $0x7;
	s31 =	spop (v2sf);
	s18 =	sadd.s32 s3, s18  }
0x40: {  	(v2sf) =	vpush v1, $0x7;
	[tilespmem:s28], [sflag:$0x1] =	stream.strided.gather [hbm4b:s18+s9], $0x0, s10, s9, $0x38;
	[tilespmem:$0x8800] =	vst v63  }
0x41: {  	s30 =	sand.u32 $0xFFFFFC00, s29  }
0x42: {  	[tilespmem:s28], [sflag:$0x1] =	stream.linear.gather [hbm4b:s18+s2], $0x20, $0x38;
	[tilespmem:$0x8800] =	vst v63  }
0x43: {  	s19 =	sadd.s32 s31, s30;
	s18 =	sand.u32 $0x380, s29  }
0x44: {  	s18 =	sor.u32 s18, s19  }
0x45: {  	s18 =	sshrl.u32 s18, $0x3  }
0x46: {  	s21 =	sadd.s32 $0x8A0, s17;
	s18 =	sadd.s32 s3, s18  }
0x47: {  	[tilespmem:s21], [sflag:$0x1] =	stream.strided.gather [hbm4b:s18+s9], $0x0, s10, s9, $0x38;
	[tilespmem:$0x8800] =	vst v63  }
0x48: {  	_ = 	snop  }
0x49: {  	[tilespmem:s21], [sflag:$0x1] =	stream.linear.gather [hbm4b:s18+s2], $0x20, $0x38;
	[tilespmem:$0x8800] =	vst v63  }
0x4a: {  	s22 =	spop (v2sf)  }
0x4b: {  	(v2sf) =	vpush v0, $0x8;
	s23 =	sand.u32 $0xFFFFFC00, s22;
	s24 =	spop (v2sf)  }
0x4c: {  	s18 =	sand.u32 $0x380, s22;
	(v2sf) =	vpush v1, $0x8;
	s19 =	sadd.s32 s24, s23  }
0x4d: {  	s18 =	sor.u32 s18, s19  }
0x4e: {  	s26 =	spop (v2sf);
	s18 =	sshrl.u32 s18, $0x3  }
0x4f: {  	s25 =	sadd.s32 $0x8C0, s17;
	(v2sf) =	vpush v0, $0x9;
	s29 =	spop (v2sf);
	s18 =	sadd.s32 s3, s18  }
0x50: {  	(v2sf) =	vpush v1, $0x9;
	[tilespmem:s25], [sflag:$0x1] =	stream.strided.gather [hbm4b:s18+s9], $0x0, s10, s9, $0x38;
	[tilespmem:$0x8800] =	vst v63  }
0x51: {  	s28 =	sand.u32 $0xFFFFFC00, s26  }
0x52: {  	[tilespmem:s25], [sflag:$0x1] =	stream.linear.gather [hbm4b:s18+s2], $0x20, $0x38;
	[tilespmem:$0x8800] =	vst v63  }
0x53: {  	s19 =	sadd.s32 s29, s28;
	s18 =	sand.u32 $0x380, s26  }
0x54: {  	s18 =	sor.u32 s18, s19  }
0x55: {  	s18 =	sshrl.u32 s18, $0x3  }
0x56: {  	s30 =	sadd.s32 $0x8E0, s17;
	s18 =	sadd.s32 s3, s18  }
0x57: {  	[tilespmem:s30], [sflag:$0x1] =	stream.strided.gather [hbm4b:s18+s9], $0x0, s10, s9, $0x38;
	[tilespmem:$0x8800] =	vst v63  }
0x58: {  	_ = 	snop  }
0x59: {  	[tilespmem:s30], [sflag:$0x1] =	stream.linear.gather [hbm4b:s18+s2], $0x20, $0x38;
	[tilespmem:$0x8800] =	vst v63  }
0x5a: {  	s31 =	spop (v2sf)  }
0x5b: {  	(v2sf) =	vpush v0, $0xA;
	s21 =	sand.u32 $0xFFFFFC00, s31;
	s22 =	spop (v2sf)  }
0x5c: {  	s18 =	sand.u32 $0x380, s31;
	(v2sf) =	vpush v1, $0xA;
	s19 =	sadd.s32 s22, s21  }
0x5d: {  	s18 =	sor.u32 s18, s19  }
0x5e: {  	s24 =	spop (v2sf);
	s18 =	sshrl.u32 s18, $0x3  }
0x5f: {  	s23 =	sadd.s32 $0x900, s17;
	(v2sf) =	vpush v0, $0xB;
	s26 =	spop (v2sf);
	s18 =	sadd.s32 s3, s18  }
0x60: {  	(v2sf) =	vpush v1, $0xB;
	[tilespmem:s23], [sflag:$0x1] =	stream.strided.gather [hbm4b:s18+s9], $0x0, s10, s9, $0x38;
	[tilespmem:$0x8800] =	vst v63  }
0x61: {  	s25 =	sand.u32 $0xFFFFFC00, s24  }
0x62: {  	[tilespmem:s23], [sflag:$0x1] =	stream.linear.gather [hbm4b:s18+s2], $0x20, $0x38;
	[tilespmem:$0x8800] =	vst v63  }
0x63: {  	s19 =	sadd.s32 s26, s25;
	s18 =	sand.u32 $0x380, s24  }
0x64: {  	s18 =	sor.u32 s18, s19  }
0x65: {  	s18 =	sshrl.u32 s18, $0x3  }
0x66: {  	s28 =	sadd.s32 $0x920, s17;
	s18 =	sadd.s32 s3, s18  }
0x67: {  	[tilespmem:s28], [sflag:$0x1] =	stream.strided.gather [hbm4b:s18+s9], $0x0, s10, s9, $0x38;
	[tilespmem:$0x8800] =	vst v63  }
0x68: {  	_ = 	snop  }
0x69: {  	[tilespmem:s28], [sflag:$0x1] =	stream.linear.gather [hbm4b:s18+s2], $0x20, $0x38;
	[tilespmem:$0x8800] =	vst v63  }
0x6a: {  	s29 =	spop (v2sf)  }
0x6b: {  	(v2sf) =	vpush v0, $0xC;
	s30 =	sand.u32 $0xFFFFFC00, s29;
	s31 =	spop (v2sf)  }
0x6c: {  	s18 =	sand.u32 $0x380, s29;
	(v2sf) =	vpush v1, $0xC;
	s19 =	sadd.s32 s31, s30  }
0x6d: {  	s18 =	sor.u32 s18, s19  }
0x6e: {  	s22 =	spop (v2sf);
	s18 =	sshrl.u32 s18, $0x3  }
0x6f: {  	s21 =	sadd.s32 $0x940, s17;
	(v2sf) =	vpush v0, $0xD;
	s24 =	spop (v2sf);
	s18 =	sadd.s32 s3, s18  }
0x70: {  	(v2sf) =	vpush v1, $0xD;
	[tilespmem:s21], [sflag:$0x1] =	stream.strided.gather [hbm4b:s18+s9], $0x0, s10, s9, $0x38;
	[tilespmem:$0x8800] =	vst v63  }
0x71: {  	s23 =	sand.u32 $0xFFFFFC00, s22  }
0x72: {  	[tilespmem:s21], [sflag:$0x1] =	stream.linear.gather [hbm4b:s18+s2], $0x20, $0x38;
	[tilespmem:$0x8800] =	vst v63  }
0x73: {  	s19 =	sadd.s32 s24, s23;
	s18 =	sand.u32 $0x380, s22  }
0x74: {  	s18 =	sor.u32 s18, s19  }
0x75: {  	s18 =	sshrl.u32 s18, $0x3  }
0x76: {  	s25 =	sadd.s32 $0x960, s17;
	s18 =	sadd.s32 s3, s18  }
0x77: {  	[tilespmem:s25], [sflag:$0x1] =	stream.strided.gather [hbm4b:s18+s9], $0x0, s10, s9, $0x38;
	[tilespmem:$0x8800] =	vst v63  }
0x78: {  	_ = 	snop  }
0x79: {  	[tilespmem:s25], [sflag:$0x1] =	stream.linear.gather [hbm4b:s18+s2], $0x20, $0x38;
	[tilespmem:$0x8800] =	vst v63  }
0x7a: {  	s26 =	spop (v2sf)  }
0x7b: {  	(v2sf) =	vpush v0, $0xE;
	s28 =	sand.u32 $0xFFFFFC00, s26;
	s29 =	spop (v2sf)  }
0x7c: {  	s18 =	sand.u32 $0x380, s26;
	(v2sf) =	vpush v1, $0xE;
	s19 =	sadd.s32 s29, s28  }
0x7d: {  	s18 =	sor.u32 s18, s19  }
0x7e: {  	s31 =	spop (v2sf);
	s18 =	sshrl.u32 s18, $0x3  }
0x7f: {  	s30 =	sadd.s32 $0x980, s17;
	(v2sf) =	vpush v1, $0xF;
	s21 =	spop (v2sf);
	s18 =	sadd.s32 s3, s18  }
0x80: {  	(v2sf) =	vpush v0, $0xF;
	[tilespmem:s30], [sflag:$0x1] =	stream.strided.gather [hbm4b:s18+s9], $0x0, s10, s9, $0x38;
	[tilespmem:$0x8800] =	vst v63  }
0x81: {  	s20 =	sand.u32 $0xFFFFFC00, s31  }
0x82: {  	[tilespmem:s30], [sflag:$0x1] =	stream.linear.gather [hbm4b:s18+s2], $0x20, $0x38;
	[tilespmem:$0x8800] =	vst v63  }
0x83: {  	s19 =	sadd.s32 s21, s20;
	s18 =	sand.u32 $0x380, s31  }
0x84: {  	s18 =	sor.u32 s18, s19  }
0x85: {  	s18 =	sshrl.u32 s18, $0x3  }
0x86: {  	s22 =	sadd.s32 $0x9A0, s17;
	s18 =	sadd.s32 s3, s18  }
0x87: {  	[tilespmem:s22], [sflag:$0x1] =	stream.strided.gather [hbm4b:s18+s9], $0x0, s10, s9, $0x38;
	[tilespmem:$0x8800] =	vst v63  }
0x88: {  	_ = 	snop  }
0x89: {  	[tilespmem:s22], [sflag:$0x1] =	stream.linear.gather [hbm4b:s18+s2], $0x20, $0x38;
	[tilespmem:$0x8800] =	vst v63  }
0x8a: {  	s23 =	spop (v2sf)  }
0x8b: {  	s24 =	spop (v2sf);
	s25 =	sand.u32 $0xFFFFFC00, s23  }
0x8c: {  	s26 =	sand.u32 $0x380, s23;
	s18 =	sadd.s32 s24, s25  }
0x8d: {  	s18 =	sor.u32 s26, s18  }
0x8e: {  	s29 =	spop (v2sf);
	s18 =	sshrl.u32 s18, $0x3  }
0x8f: {  	s28 =	sadd.s32 $0x9C0, s17;
	s30 =	spop (v2sf);
	s18 =	sadd.s32 s3, s18  }
0x90: {  	[tilespmem:s28], [sflag:$0x1] =	stream.strided.gather [hbm4b:s18+s9], $0x0, s10, s9, $0x38;
	[tilespmem:$0x8800] =	vst v63  }
0x91: {  	s31 =	sand.u32 $0xFFFFFC00, s30  }
0x92: {  	[tilespmem:s28], [sflag:$0x1] =	stream.linear.gather [hbm4b:s18+s2], $0x20, $0x38;
	[tilespmem:$0x8800] =	vst v63  }
0x93: {  	s19 =	sadd.s32 s29, s31;
	s18 =	sand.u32 $0x380, s30  }
0x94: {  	p0 =	sne.s32 s16, $0x1F800;
	s18 =	sor.u32 s18, s19  }
.Ltmp0:
0x95: {  	s18 =	sshrl.u32 s18, $0x3;
	(pc) =	sbr.rel @p0 .LBB2_2-.Ltmp0, $4  }
0x96: {  	s17 =	sadd.s32 $0x9E0, s17;
	s18 =	sadd.s32 s3, s18  }
0x97: {  	[tilespmem:s17], [sflag:$0x1] =	stream.strided.gather [hbm4b:s18+s9], $0x0, s10, s9, $0x38;
	[tilespmem:$0x8800] =	vst v63  }
0x98: {  	s15 =	sadd.s32 $0x10, s15;
	s14 =	sadd.s32 $0x10, s14;
	s16 =	sadd.s32 $0x800, s16  }
0x99: {  	[tilespmem:s17], [sflag:$0x1] =	stream.linear.gather [hbm4b:s18+s2], $0x20, $0x38;
	[tilespmem:$0x8800] =	vst v63  }
0x9a: {  	_ =	swait.ge [sflag:s11], $0x8000;
	s13 =	sadd.s32 $0x1, s13  }
0x9b: {  	[sflag:s11] =	ssyncset.done $0x0;
	p0 =	sne.s32 s13, s7  }
.Ltmp1:
0x9c: {  	[sflag:s11] =	ssyncadd.s32 $0xFFFF8000;
	(pc) =	sbr.rel @p0 .LBB2_1-.Ltmp1, $4  }
0x9d: {  	[hbm4b:s6+s2] =	stream.linear.scatter [tilespmem:s12], [sflag:$0x2], $0x8000, $0x38;
	[tilespmem:$0x8800] =	vst v63  }
0x9e: {  	_ =	swait.ge [sflag:s8], $0x8000  }
0x9f: {  	[sflag:s8] =	ssyncset.done $0x0  }
0xa0: {  	[sflag:s8] =	ssyncadd.s32 $0xFFFF8000  }
0xa1: {  	_ =	sfence.sel $0x180000  }
0xa2: {  	[bflag:$0x0] =	sbarrier.arrive $0xFFFF  }
0xa3: {  	p0 =	sne.s32 s1, $0x0;
	_ =	strace $0x90000047  }
0xa4: {  	s0 =	sadd.s32 @!p0 $0x100000, s0;
	[bflag:$0x2] =	sbarrier.arrive $0xFFFF  }
0xa5: {  	[sflag:s0] =	ssyncadd.tile.s32 @!p0 $0x1;
	_ =	shalt  }
.Lfunc_end2:
_tile_overlayer_lowered:
.L_overlay_start_2:
0xa6: {  	(tag) =	ssettag $0x2  }
0xa7: {  	s0 =	rddreg [dreg:$0x0];
	s2 =	stileid.u32  }
0xa8: {  	s1 =	rddreg [dreg:$0x1];
	p0 =	sne.s32 s2, $0x0  }
0xa9: {  	s3 =	rddreg [dreg:$0x2];
	[bflag:$0x3] =	sbarrier.arrive $0xFFFF;
	s2 =	simm.s32 @!p0 $0x1C02  }
0xaa: {  	[timem:s3], [sflag:s2] =	dma.local @!p0 [hbm:s0], s1  }
0xab: {  	s0 =	simm.s32 @!p0 $0x2  }
0xac: {  	_ =	swait.ge @!p0 [sflag:s0], s1  }
0xad: {  	s1 =	ssub.s32 @!p0 $0x0, s1;
	[sflag:s0] =	ssyncset.done @!p0 $0x0  }
0xae: {  	[sflag:s0] =	ssyncadd.s32 @!p0 s1  }
0xaf: {  	[bflag:$0x3] =	sbarrier.arrive $0xFFFF  }
0xb0: {  	_ =	shalt  }

</sc_bundles>
